<compile_context>
chip_gen: v7x
topology: tpu7x:2x2x1
jax: 0.10.2.dev20260603
libtpu: 0.0.44.dev20260713+nightly
codegen_flags: <defaults>
</compile_context>

<pallas_src>
import functools

import jax
import jax.numpy as jnp
from jax import lax
from jax.experimental import pallas as pl
from jax.experimental.pallas import tpu as pltpu
from jax.experimental.pallas import tpu_sc as plsc

_NUM_HEADS = 8
_POS_PAD = 128


def _proj_body(x_ref, pos_ref, wq_ref, bq_ref, wkv_ref, bkv_ref, q_ref,
               tab_ref):
    xb = x_ref[...]
    q_ref[...] = jnp.dot(xb, wq_ref[...], preferred_element_type=jnp.float32) + bq_ref[...]
    kv = jnp.dot(xb, wkv_ref[...], preferred_element_type=jnp.float32) + bkv_ref[...]
    c = xb.shape[1]
    kb = lax.bitcast_convert_type(kv[:, :c].astype(jnp.bfloat16), jnp.uint16)
    vb = lax.bitcast_convert_type(kv[:, c:].astype(jnp.bfloat16), jnp.uint16)
    kvw = kb.astype(jnp.uint32) | (vb.astype(jnp.uint32) << 16)
    posw = lax.bitcast_convert_type(pos_ref[...], jnp.int32)
    tab_ref[...] = jnp.concatenate(
        [lax.bitcast_convert_type(kvw, jnp.int32), posw], axis=1)


def _gelu(x):
    u = x * (1.0 + 0.044715 * (x * x))
    return 0.5 * x * (1.0 + jnp.tanh(0.7978845608028654 * u))


def _attn_body(scale, bn, k, c,
               q_ref, x_ref, pos_ref, g_ref, wo_ref, bo_ref, w1_ref,
               b1_ref, w2_ref, b2_ref, ssum_ref, sbce_ref, sbcef_ref, gm_ref,
               bt_ref, o_ref):
    e = bn * k
    g = g_ref[...]
    kvw = g[:, :, :c]
    kf = lax.bitcast_convert_type(kvw << 16, jnp.float32)
    vf = lax.bitcast_convert_type(
        kvw & jnp.int32(-65536), jnp.float32)
    npos = lax.bitcast_convert_type(g[:, :, c:], jnp.float32)
    q = q_ref[...]
    prod = (kf * q[None, :, :]).reshape(e, c).astype(jnp.bfloat16)
    logits = jnp.dot(prod, ssum_ref[...],
                     preferred_element_type=jnp.float32) * scale
    rel = (npos - pos_ref[...][None, :, :]).reshape(e, _POS_PAD)
    h = _gelu(jnp.dot(rel, w1_ref[...], preferred_element_type=jnp.float32)
              + b1_ref[...])
    z = logits + jnp.dot(h, w2_ref[...], preferred_element_type=jnp.float32) \
        + b2_ref[...]
    z3 = z.reshape(k, bn, _NUM_HEADS)
    zmax = jnp.max(z3, axis=0, keepdims=True)
    ez3 = jnp.exp(z3 - zmax)
    den = jnp.sum(ez3, axis=0)
    ezbc = (jnp.dot(ez3.reshape(e, _NUM_HEADS).astype(jnp.bfloat16),
                    sbce_ref[...], preferred_element_type=jnp.float32)
            .reshape(k, bn, c))
    inv_bc = jnp.dot(1.0 / den, sbcef_ref[...],
                     preferred_element_type=jnp.float32)
    acc = ezbc[0] * vf[0]
    for kk in range(1, k):
        acc = acc + ezbc[kk] * vf[kk]
    out = acc * inv_bc
    y = jnp.dot(out, wo_ref[...], preferred_element_type=jnp.float32) \
        + bo_ref[...] + x_ref[...]
    mean = jnp.mean(y, axis=1, keepdims=True)
    var = jnp.mean((y - mean) ** 2, axis=1, keepdims=True)
    o_ref[...] = (y - mean) * lax.rsqrt(var + 1e-5) * gm_ref[...] + bt_ref[...]


def _pick_chunk(epw):
    for c in range(128, 0, -8):
        if epw % c == 0:
            return c
    raise ValueError(epw)


def _sc_gather(tab, idx_flat, e_out, idx_base_fn, dtype, tiled,
               n_workers=32, chunk=None):
    d = tab.shape[1]
    epw = e_out // n_workers
    if chunk is None:
        chunk = _pick_chunk(epw)
    assert epw * n_workers == e_out and epw % chunk == 0
    n_chunks = epw // chunk
    assert n_chunks >= 4
    mesh = plsc.VectorSubcoreMesh(core_axis_name="c", subcore_axis_name="s")
    params = None if tiled else pltpu.CompilerParams(use_tc_tiling_on_sc=False)

    @functools.partial(
        pl.kernel,
        out_type=jax.ShapeDtypeStruct((e_out, d), dtype),
        mesh=mesh,
        scratch_types=[
            pltpu.VMEM((epw,), jnp.int32),
            pltpu.VMEM((chunk, d), dtype),
            pltpu.VMEM((chunk, d), dtype),
            pltpu.SemaphoreType.DMA,
            pltpu.SemaphoreType.DMA,
            pltpu.SemaphoreType.DMA,
            pltpu.SemaphoreType.DMA,
        ],
        compiler_params=params,
    )
    def gather_kernel(tab_hbm, idx_hbm, out_hbm, idx_v, rows0, rows1,
                      g0, g1, s0, s1):
        wid = lax.axis_index("s") * 2 + lax.axis_index("c")
        base = wid * epw
        pltpu.sync_copy(idx_hbm.at[pl.ds(idx_base_fn(wid), epw)], idx_v)
        rows = (rows0, rows1)
        gsem = (g0, g1)
        ssem = (s0, s1)

        def start_gather(j, b):
            pltpu.async_copy(
                tab_hbm.at[idx_v.at[pl.ds(j * chunk, chunk)]], rows[b],
                gsem[b])

        def wait_gather(j, b):
            pltpu.make_async_copy(
                tab_hbm.at[idx_v.at[pl.ds(j * chunk, chunk)]], rows[b],
                gsem[b]).wait()

        def start_scatter(j, b):
            pltpu.async_copy(
                rows[b], out_hbm.at[pl.ds(base + j * chunk, chunk)], ssem[b])

        def wait_scatter(j, b):
            pltpu.make_async_copy(
                rows[b], out_hbm.at[pl.ds(base + j * chunk, chunk)],
                ssem[b]).wait()

        start_gather(0, 0)

        def pair_body(p, carry):
            j0 = p * 2
            wait_gather(j0, 0)
            start_scatter(j0, 0)

            @pl.when(p > 0)
            def _():
                wait_scatter(j0 - 1, 1)

            start_gather(j0 + 1, 1)
            wait_gather(j0 + 1, 1)
            start_scatter(j0 + 1, 1)
            wait_scatter(j0, 0)

            @pl.when(j0 + 2 < n_chunks)
            def _():
                start_gather(j0 + 2, 0)

            return carry

        lax.fori_loop(0, n_chunks // 2, pair_body, 0)
        if n_chunks % 2 == 1:
            last = n_chunks - 1
            wait_gather(last, 0)
            start_scatter(last, 0)
            wait_scatter(last - 1, 1)
            wait_scatter(last, 0)
        else:
            wait_scatter(n_chunks - 1, 1)

    return gather_kernel(tab, idx_flat)


def kernel(x, pos, idx, Wq, bq, Wk, bk, Wv, bv, Wo, bo, W1, b1, W2, b2,
           gamma, beta):
    n, c = x.shape
    k = idx.shape[1]
    h = _NUM_HEADS
    hd = c // h
    scale = float(hd) ** -0.5

    d_tab = c + _POS_PAD
    pos_pad = jnp.pad(pos, ((0, 0), (0, _POS_PAD - pos.shape[1])))
    wkv = jnp.concatenate([Wk, Wv], axis=1)
    bkv = jnp.concatenate([bk, bv])[None, :]
    idx_flat = idx.T.reshape(-1)

    bn_a = 400
    grid_a = n // bn_a
    q, tab = pl.pallas_call(
        _proj_body,
        grid=(grid_a,),
        in_specs=[
            pl.BlockSpec((bn_a, c), lambda i: (i, 0)),
            pl.BlockSpec((bn_a, _POS_PAD), lambda i: (i, 0)),
            pl.BlockSpec((c, c), lambda i: (0, 0)),
            pl.BlockSpec((1, c), lambda i: (0, 0)),
            pl.BlockSpec((c, 2 * c), lambda i: (0, 0)),
            pl.BlockSpec((1, 2 * c), lambda i: (0, 0)),
        ],
        out_specs=[
            pl.BlockSpec((bn_a, c), lambda i: (i, 0)),
            pl.BlockSpec((bn_a, d_tab), lambda i: (i, 0)),
        ],
        out_shape=[
            jax.ShapeDtypeStruct((n, c), jnp.float32),
            jax.ShapeDtypeStruct((n, d_tab), jnp.int32),
        ],
    )(x, pos_pad, Wq, bq[None, :], wkv, bkv)

    head_ids = jnp.arange(c, dtype=jnp.int32) // hd
    ssum = (head_ids[:, None] == jnp.arange(h, dtype=jnp.int32)[None, :]
            ).astype(jnp.float32)
    sbce = ssum.T
    w1p = jnp.pad(W1, ((0, _POS_PAD - W1.shape[0]), (0, 0)))
    ssum_bf = ssum.astype(jnp.bfloat16)
    sbce_bf = sbce.astype(jnp.bfloat16)

    bn_c = 200

    def attn_call(s, t, g3_s):
        n_s = t - s
        grid_c = n_s // bn_c
        off = s // bn_c

        return pl.pallas_call(
            functools.partial(_attn_body, scale, bn_c, k, c),
            grid=(grid_c,),
            in_specs=[
                pl.BlockSpec((bn_c, c), lambda i: (off + i, 0)),
                pl.BlockSpec((bn_c, c), lambda i: (off + i, 0)),
                pl.BlockSpec((bn_c, _POS_PAD), lambda i: (off + i, 0)),
                pl.BlockSpec((k, bn_c, d_tab), lambda i: (0, i, 0)),
                pl.BlockSpec((c, c), lambda i: (0, 0)),
                pl.BlockSpec((1, c), lambda i: (0, 0)),
                pl.BlockSpec((_POS_PAD, 64), lambda i: (0, 0)),
                pl.BlockSpec((1, 64), lambda i: (0, 0)),
                pl.BlockSpec((64, h), lambda i: (0, 0)),
                pl.BlockSpec((1, h), lambda i: (0, 0)),
                pl.BlockSpec((c, h), lambda i: (0, 0)),
                pl.BlockSpec((h, c), lambda i: (0, 0)),
                pl.BlockSpec((h, c), lambda i: (0, 0)),
                pl.BlockSpec((1, c), lambda i: (0, 0)),
                pl.BlockSpec((1, c), lambda i: (0, 0)),
            ],
            out_specs=pl.BlockSpec((bn_c, c), lambda i: (i, 0)),
            out_shape=jax.ShapeDtypeStruct((n_s, c), jnp.float32),
        )(q, x, pos_pad, g3_s, Wo, bo[None, :], w1p, b1[None, :], W2,
          b2[None, :], ssum_bf, sbce_bf, sbce, gamma[None, :], beta[None, :])

    bounds = (0, 6000, n)
    ys = []
    for s, t in zip(bounds[:-1], bounds[1:]):
        epw = (t - s) // 2
        g = _sc_gather(
            tab, idx_flat, (t - s) * k,
            lambda w, s=s, epw=epw: (w // 2) * n + s + (w % 2) * epw,
            jnp.int32, tiled=True)
        ys.append(attn_call(s, t, g.reshape(k, t - s, d_tab)))
    return jnp.concatenate(ys, axis=0)

# --- scband reference (transcript-rebuilt; emitter-appended) ---
"""Pipeline reference for scband-local-attention-19121194402080 (READ-ONLY COPY).

The authoritative reference and input builder live on the scoring server;
editing this copy changes nothing except your own understanding.
"""

import jax, jax.numpy as jnp
import numpy as np

N = 10000
K = 16
EMBED_DIM = 256
NUM_HEADS = 8
HEAD_DIM = EMBED_DIM // NUM_HEADS


def setup_inputs(seed: int = 0) -> dict:
    key = jax.random.key(seed)
    ks = jax.random.split(key, 16)
    s = 1.0 / np.sqrt(EMBED_DIM)
    inp = {
        "x": jax.random.normal(ks[0], (N, EMBED_DIM), dtype=jnp.float32),
        "pos": jax.random.normal(ks[1], (N, 3), dtype=jnp.float32),
        "idx": jax.random.randint(ks[2], (N, K), 0, N),
        "Wq": jax.random.normal(ks[3], (EMBED_DIM, EMBED_DIM), dtype=jnp.float32) * s,
        "bq": jnp.zeros((EMBED_DIM,), dtype=jnp.float32),
        "Wk": jax.random.normal(ks[4], (EMBED_DIM, EMBED_DIM), dtype=jnp.float32) * s,
        "bk": jnp.zeros((EMBED_DIM,), dtype=jnp.float32),
        "Wv": jax.random.normal(ks[5], (EMBED_DIM, EMBED_DIM), dtype=jnp.float32) * s,
        "bv": jnp.zeros((EMBED_DIM,), dtype=jnp.float32),
        "Wo": jax.random.normal(ks[6], (EMBED_DIM, EMBED_DIM), dtype=jnp.float32) * s,
        "bo": jnp.zeros((EMBED_DIM,), dtype=jnp.float32),
        "W1": jax.random.normal(ks[7], (3, 64), dtype=jnp.float32) * (1.0 / np.sqrt(3.0)),
        "b1": jnp.zeros((64,), dtype=jnp.float32),
        "W2": jax.random.normal(ks[8], (64, NUM_HEADS), dtype=jnp.float32) * (1.0 / np.sqrt(64.0)),
        "b2": jnp.zeros((NUM_HEADS,), dtype=jnp.float32),
        "gamma": jnp.ones((EMBED_DIM,), dtype=jnp.float32),
        "beta": jnp.zeros((EMBED_DIM,), dtype=jnp.float32),
    }
    return inp


def reference(x, pos, idx, Wq, bq, Wk, bk, Wv, bv, Wo, bo, W1, b1, W2, b2, gamma, beta):
    Nn, C = x.shape
    k = idx.shape[1]
    scale = HEAD_DIM ** (-0.5)
    # projections
    q = (x @ Wq + bq).reshape(Nn, NUM_HEADS, HEAD_DIM)
    k_feat = jnp.take(x @ Wk + bk, idx, axis=0).reshape(Nn, k, NUM_HEADS, HEAD_DIM)
    v = jnp.take(x @ Wv + bv, idx, axis=0).reshape(Nn, k, NUM_HEADS, HEAD_DIM)
    attn = jnp.einsum('nhd,nkhd->nhk', q, k_feat) * scale
    # relative positional bias
    neighbor_pos = jnp.take(pos, idx, axis=0)  # (N, k, 3)
    rel_pos = neighbor_pos - pos[:, None, :]
    h = jax.nn.gelu(rel_pos @ W1 + b1, approximate=False)
    pos_bias = (h @ W2 + b2).transpose(0, 2, 1)  # (N, H, k)
    attn = jax.nn.softmax(attn + pos_bias, axis=-1)
    # dropout is identity in eval mode
    out = jnp.einsum('nhk,nkhd->nhd', attn, v).reshape(Nn, C)
    out = out @ Wo + bo
    y = x + out
    mean = jnp.mean(y, axis=-1, keepdims=True)
    var = jnp.var(y, axis=-1, keepdims=True)
    y = (y - mean) / jnp.sqrt(var + 1e-5) * gamma + beta
    return y

if __name__ == "__main__":
    import jax
    _d = setup_inputs()
    print(jax.jit(kernel)(*tuple(_d.values())))

</pallas_src>

<mosaic_0001>
#map = affine_map<(d0, d1) -> (0, 0)>
#map1 = affine_map<(d0, d1) -> (0)>
module attributes {stable_mosaic.version = 14 : i64} {
  func.func @gather_kernel(%arg0: i32, %arg1: i32, %arg2: memref<10000x384xi32, #tpu.memory_space<hbm>>, %arg3: memref<160000xi32, #tpu.memory_space<hbm>>, %arg4: memref<64000x384xi32, #tpu.memory_space<hbm>>, %arg5: memref<2000xi32, #tpu.memory_space<vmem>>, %arg6: memref<80x384xi32, #tpu.memory_space<vmem>>, %arg7: memref<80x384xi32, #tpu.memory_space<vmem>>, %arg8: memref<!tpu.dma_semaphore, #tpu.memory_space<semaphore_mem>>, %arg9: memref<!tpu.dma_semaphore, #tpu.memory_space<semaphore_mem>>, %arg10: memref<!tpu.dma_semaphore, #tpu.memory_space<semaphore_mem>>, %arg11: memref<!tpu.dma_semaphore, #tpu.memory_space<semaphore_mem>>) attributes {dimension_semantics = [#tpu.dimension_semantics<core_parallel>, #tpu.dimension_semantics<subcore_parallel>], iteration_bounds = array<i64: 2, 16>, scalar_prefetch = 0 : i64, scratch_operands = 7 : i64, tpu.core_type = #tpu.core_type<sc_vector_subcore>, window_params = [{transform_indices = #map}, {transform_indices = #map1}, {transform_indices = #map}]} {
    %mul3A = arith.constant 2 : i32
    %mul3A_0 = arith.muli %arg1, %mul3A : i32
    %add3A = arith.addi %mul3A_0, %arg0 : i32
    %mul3A_1 = arith.constant 2000 : i32
    %mul3A_2 = arith.muli %add3A, %mul3A_1 : i32
    %jit3A = arith.constant 2 : i32
    %div3A = arith.divsi %add3A, %jit3A : i32
    %sign3A = arith.constant 0 : i32
    %sign3A_3 = arith.cmpi sgt, %add3A, %sign3A : i32
    %sign3A_4 = arith.extui %sign3A_3 : i1 to i32
    %sign3A_5 = arith.constant 0 : i32
    %sign3A_6 = arith.cmpi slt, %add3A, %sign3A_5 : i32
    %sign3A_7 = arith.extui %sign3A_6 : i1 to i32
    %sign3A_8 = arith.subi %sign3A_4, %sign3A_7 : i32
    %sign3A_9 = arith.constant 0 : i32
    %sign3A_10 = arith.cmpi sgt, %jit3A, %sign3A_9 : i32
    %sign3A_11 = arith.extui %sign3A_10 : i1 to i32
    %sign3A_12 = arith.constant 0 : i32
    %sign3A_13 = arith.cmpi slt, %jit3A, %sign3A_12 : i32
    %sign3A_14 = arith.extui %sign3A_13 : i1 to i32
    %sign3A_15 = arith.subi %sign3A_11, %sign3A_14 : i32
    %ne3A = arith.cmpi ne, %sign3A_8, %sign3A_15 : i32
    %rem3A = arith.remsi %add3A, %jit3A : i32
    %ne3A_16 = arith.constant 0 : i32
    %ne3A_17 = arith.cmpi ne, %rem3A, %ne3A_16 : i32
    %and3A = arith.andi %ne3A, %ne3A_17 : i1
    %sub3A = arith.constant 1 : i32
    %sub3A_18 = arith.subi %div3A, %sub3A : i32
    %select_n3A = arith.select %and3A, %sub3A_18, %div3A : i32
    %mul3A_19 = arith.constant 10000 : i32
    %mul3A_20 = arith.muli %select_n3A, %mul3A_19 : i32
    %add3A_21 = arith.constant 6000 : i32
    %add3A_22 = arith.addi %mul3A_20, %add3A_21 : i32
    %jit3A_23 = arith.constant 2 : i32
    %eq3A = arith.constant 0 : i32
    %eq3A_24 = arith.cmpi eq, %jit3A_23, %eq3A : i32
    %jit3A_25 = arith.constant 1 : i32
    %select_n3A_26 = arith.select %eq3A_24, %jit3A_25, %jit3A_23 : i32
    %rem3A_27 = arith.remsi %add3A, %select_n3A_26 : i32
    %ne3A_28 = arith.constant 0 : i32
    %ne3A_29 = arith.cmpi ne, %rem3A_27, %ne3A_28 : i32
    %lt3A = arith.constant 0 : i32
    %lt3A_30 = arith.cmpi slt, %rem3A_27, %lt3A : i32
    %lt3A_31 = arith.constant 0 : i32
    %lt3A_32 = arith.cmpi slt, %select_n3A_26, %lt3A_31 : i32
    %ne3A_33 = arith.xori %lt3A_30, %lt3A_32 : i1
    %and3A_34 = arith.andi %ne3A_33, %ne3A_29 : i1
    %add3A_35 = arith.addi %rem3A_27, %select_n3A_26 : i32
    %select_n3A_36 = arith.select %and3A_34, %add3A_35, %rem3A_27 : i32
    %mul3A_37 = arith.constant 2000 : i32
    %mul3A_38 = arith.muli %select_n3A_36, %mul3A_37 : i32
    %add3A_39 = arith.addi %add3A_22, %mul3A_38 : i32
    "tpu.region"() ({
      %run_scoped3A = tpu.sem_alloc : memref<!tpu.dma_semaphore, #tpu.memory_space<semaphore_mem>>
      %dma_start3A_71 = tpu.memref_slice %arg3[%add3A_39] : memref<160000xi32, #tpu.memory_space<hbm>> -> memref<2000xi32, #tpu.memory_space<hbm>>
      %dma_start3A_72 = tpu.memref_slice %arg3[%add3A_39] : memref<160000xi32, #tpu.memory_space<hbm>> -> memref<2000xi32, #tpu.memory_space<hbm>>
      tpu.enqueue_dma source(%dma_start3A_72 : memref<2000xi32, #tpu.memory_space<hbm>>) target(%arg5 : memref<2000xi32, #tpu.memory_space<vmem>>) target_semaphore(%run_scoped3A : memref<!tpu.dma_semaphore, #tpu.memory_space<semaphore_mem>>)
      %dma_wait3A_73 = tpu.memref_slice %arg3[%add3A_39] : memref<160000xi32, #tpu.memory_space<hbm>> -> memref<2000xi32, #tpu.memory_space<hbm>>
      %dma_wait3A_74 = tpu.memref_slice %arg3[%add3A_39] : memref<160000xi32, #tpu.memory_space<hbm>> -> memref<2000xi32, #tpu.memory_space<hbm>>
      tpu.wait_dma2 semaphore(%run_scoped3A : memref<!tpu.dma_semaphore, #tpu.memory_space<semaphore_mem>>) src(%dma_wait3A_74 : memref<2000xi32, #tpu.memory_space<hbm>>) dst(%arg5 : memref<2000xi32, #tpu.memory_space<vmem>>)
      tpu.yield
    }) : () -> ()
    %dma_start3A = arith.constant 0 : i32
    %dma_start3A_40 = tpu.memref_slice %arg5[%dma_start3A] : memref<2000xi32, #tpu.memory_space<vmem>> -> memref<80xi32, #tpu.memory_space<vmem>>
    %dma_start3A_41 = arith.constant 0 : i32
    %dma_start3A_42 = arith.constant 0 : i32
    %dma_start3A_43 = tpu.memref_slice %arg2[%dma_start3A_41, %dma_start3A_42] : memref<10000x384xi32, #tpu.memory_space<hbm>> -> memref<10000x384xi32, #tpu.memory_space<hbm>>
    tpu.enqueue_indirect_dma source(%dma_start3A_43 : memref<10000x384xi32, #tpu.memory_space<hbm>>) target(%arg6 : memref<80x384xi32, #tpu.memory_space<vmem>>) offsets(%dma_start3A_40 : memref<80xi32, #tpu.memory_space<vmem>>) semaphore(%arg8 : memref<!tpu.dma_semaphore, #tpu.memory_space<semaphore_mem>>)
    %scan3A = arith.constant 0 : i32
    %scan3A_44 = arith.constant 0 : i32
    %scan3A_45 = arith.constant 12 : i32
    %scan3A_46 = arith.addi %scan3A_44, %scan3A_45 : i32
    %scan3A_47 = arith.constant 1 : i32
    scf.for %scan3A_71 = %scan3A_44 to %scan3A_46 step %scan3A_47  : i32 {
      %mul3A_72 = arith.constant 2 : i32
      %mul3A_73 = arith.muli %scan3A_71, %mul3A_72 : i32
      %mul3A_74 = arith.constant 80 : i32
      %mul3A_75 = arith.muli %mul3A_73, %mul3A_74 : i32
      %dma_wait3A_76 = tpu.memref_slice %arg5[%mul3A_75] : memref<2000xi32, #tpu.memory_space<vmem>> -> memref<80xi32, #tpu.memory_space<vmem>>
      %dma_wait3A_77 = arith.constant 0 : i32
      %dma_wait3A_78 = arith.constant 0 : i32
      %dma_wait3A_79 = tpu.memref_slice %arg2[%dma_wait3A_77, %dma_wait3A_78] : memref<10000x384xi32, #tpu.memory_space<hbm>> -> memref<10000x384xi32, #tpu.memory_space<hbm>>
      tpu.wait_indirect_dma semaphore(%arg8 : memref<!tpu.dma_semaphore, #tpu.memory_space<semaphore_mem>>) src(%dma_wait3A_79 : memref<10000x384xi32, #tpu.memory_space<hbm>>) dst(%arg6 : memref<80x384xi32, #tpu.memory_space<vmem>>)
      %mul3A_80 = arith.constant 80 : i32
      %mul3A_81 = arith.muli %mul3A_73, %mul3A_80 : i32
      %add3A_82 = arith.addi %mul3A_2, %mul3A_81 : i32
      %dma_start3A_83 = arith.constant 0 : i32
      %dma_start3A_84 = tpu.memref_slice %arg4[%add3A_82, %dma_start3A_83] : memref<64000x384xi32, #tpu.memory_space<hbm>> -> memref<80x384xi32, #tpu.memory_space<hbm>>
      %dma_start3A_85 = arith.constant 0 : i32
      %dma_start3A_86 = tpu.memref_slice %arg4[%add3A_82, %dma_start3A_85] : memref<64000x384xi32, #tpu.memory_space<hbm>> -> memref<80x384xi32, #tpu.memory_space<hbm>>
      tpu.enqueue_dma source(%arg6 : memref<80x384xi32, #tpu.memory_space<vmem>>) target(%dma_start3A_86 : memref<80x384xi32, #tpu.memory_space<hbm>>) target_semaphore(%arg10 : memref<!tpu.dma_semaphore, #tpu.memory_space<semaphore_mem>>)
      %gt3A = arith.constant 0 : i32
      %gt3A_87 = arith.cmpi sgt, %scan3A_71, %gt3A : i32
      %convert_element_type3A = arith.extui %gt3A_87 : i1 to i32
      %cond3A = arith.constant 0 : i32
      %cond3A_88 = arith.cmpi ne, %convert_element_type3A, %cond3A : i32
      scf.if %cond3A_88 {
        %sub3A_128 = arith.constant 1 : i32
        %sub3A_129 = arith.subi %mul3A_73, %sub3A_128 : i32
        %mul3A_130 = arith.constant 80 : i32
        %mul3A_131 = arith.muli %sub3A_129, %mul3A_130 : i32
        %add3A_132 = arith.addi %mul3A_2, %mul3A_131 : i32
        %dma_wait3A_133 = arith.constant 0 : i32
        %dma_wait3A_134 = tpu.memref_slice %arg4[%add3A_132, %dma_wait3A_133] : memref<64000x384xi32, #tpu.memory_space<hbm>> -> memref<80x384xi32, #tpu.memory_space<hbm>>
        %dma_wait3A_135 = arith.constant 0 : i32
        %dma_wait3A_136 = tpu.memref_slice %arg4[%add3A_132, %dma_wait3A_135] : memref<64000x384xi32, #tpu.memory_space<hbm>> -> memref<80x384xi32, #tpu.memory_space<hbm>>
        tpu.wait_dma2 semaphore(%arg11 : memref<!tpu.dma_semaphore, #tpu.memory_space<semaphore_mem>>) src(%arg7 : memref<80x384xi32, #tpu.memory_space<vmem>>) dst(%dma_wait3A_136 : memref<80x384xi32, #tpu.memory_space<hbm>>)
      } else {
      }
      %add3A_89 = arith.constant 1 : i32
      %add3A_90 = arith.addi %mul3A_73, %add3A_89 : i32
      %mul3A_91 = arith.constant 80 : i32
      %mul3A_92 = arith.muli %add3A_90, %mul3A_91 : i32
      %dma_start3A_93 = tpu.memref_slice %arg5[%mul3A_92] : memref<2000xi32, #tpu.memory_space<vmem>> -> memref<80xi32, #tpu.memory_space<vmem>>
      %dma_start3A_94 = arith.constant 0 : i32
      %dma_start3A_95 = arith.constant 0 : i32
      %dma_start3A_96 = tpu.memref_slice %arg2[%dma_start3A_94, %dma_start3A_95] : memref<10000x384xi32, #tpu.memory_space<hbm>> -> memref<10000x384xi32, #tpu.memory_space<hbm>>
      tpu.enqueue_indirect_dma source(%dma_start3A_96 : memref<10000x384xi32, #tpu.memory_space<hbm>>) target(%arg7 : memref<80x384xi32, #tpu.memory_space<vmem>>) offsets(%dma_start3A_93 : memref<80xi32, #tpu.memory_space<vmem>>) semaphore(%arg9 : memref<!tpu.dma_semaphore, #tpu.memory_space<semaphore_mem>>)
      %add3A_97 = arith.constant 1 : i32
      %add3A_98 = arith.addi %mul3A_73, %add3A_97 : i32
      %mul3A_99 = arith.constant 80 : i32
      %mul3A_100 = arith.muli %add3A_98, %mul3A_99 : i32
      %dma_wait3A_101 = tpu.memref_slice %arg5[%mul3A_100] : memref<2000xi32, #tpu.memory_space<vmem>> -> memref<80xi32, #tpu.memory_space<vmem>>
      %dma_wait3A_102 = arith.constant 0 : i32
      %dma_wait3A_103 = arith.constant 0 : i32
      %dma_wait3A_104 = tpu.memref_slice %arg2[%dma_wait3A_102, %dma_wait3A_103] : memref<10000x384xi32, #tpu.memory_space<hbm>> -> memref<10000x384xi32, #tpu.memory_space<hbm>>
      tpu.wait_indirect_dma semaphore(%arg9 : memref<!tpu.dma_semaphore, #tpu.memory_space<semaphore_mem>>) src(%dma_wait3A_104 : memref<10000x384xi32, #tpu.memory_space<hbm>>) dst(%arg7 : memref<80x384xi32, #tpu.memory_space<vmem>>)
      %add3A_105 = arith.constant 1 : i32
      %add3A_106 = arith.addi %mul3A_73, %add3A_105 : i32
      %mul3A_107 = arith.constant 80 : i32
      %mul3A_108 = arith.muli %add3A_106, %mul3A_107 : i32
      %add3A_109 = arith.addi %mul3A_2, %mul3A_108 : i32
      %dma_start3A_110 = arith.constant 0 : i32
      %dma_start3A_111 = tpu.memref_slice %arg4[%add3A_109, %dma_start3A_110] : memref<64000x384xi32, #tpu.memory_space<hbm>> -> memref<80x384xi32, #tpu.memory_space<hbm>>
      %dma_start3A_112 = arith.constant 0 : i32
      %dma_start3A_113 = tpu.memref_slice %arg4[%add3A_109, %dma_start3A_112] : memref<64000x384xi32, #tpu.memory_space<hbm>> -> memref<80x384xi32, #tpu.memory_space<hbm>>
      tpu.enqueue_dma source(%arg7 : memref<80x384xi32, #tpu.memory_space<vmem>>) target(%dma_start3A_113 : memref<80x384xi32, #tpu.memory_space<hbm>>) target_semaphore(%arg11 : memref<!tpu.dma_semaphore, #tpu.memory_space<semaphore_mem>>)
      %mul3A_114 = arith.constant 80 : i32
      %mul3A_115 = arith.muli %mul3A_73, %mul3A_114 : i32
      %add3A_116 = arith.addi %mul3A_2, %mul3A_115 : i32
      %dma_wait3A_117 = arith.constant 0 : i32
      %dma_wait3A_118 = tpu.memref_slice %arg4[%add3A_116, %dma_wait3A_117] : memref<64000x384xi32, #tpu.memory_space<hbm>> -> memref<80x384xi32, #tpu.memory_space<hbm>>
      %dma_wait3A_119 = arith.constant 0 : i32
      %dma_wait3A_120 = tpu.memref_slice %arg4[%add3A_116, %dma_wait3A_119] : memref<64000x384xi32, #tpu.memory_space<hbm>> -> memref<80x384xi32, #tpu.memory_space<hbm>>
      tpu.wait_dma2 semaphore(%arg10 : memref<!tpu.dma_semaphore, #tpu.memory_space<semaphore_mem>>) src(%arg6 : memref<80x384xi32, #tpu.memory_space<vmem>>) dst(%dma_wait3A_120 : memref<80x384xi32, #tpu.memory_space<hbm>>)
      %add3A_121 = arith.constant 2 : i32
      %add3A_122 = arith.addi %mul3A_73, %add3A_121 : i32
      %lt3A_123 = arith.constant 25 : i32
      %lt3A_124 = arith.cmpi slt, %add3A_122, %lt3A_123 : i32
      %convert_element_type3A_125 = arith.extui %lt3A_124 : i1 to i32
      %cond3A_126 = arith.constant 0 : i32
      %cond3A_127 = arith.cmpi ne, %convert_element_type3A_125, %cond3A_126 : i32
      scf.if %cond3A_127 {
        %add3A_128 = arith.constant 2 : i32
        %add3A_129 = arith.addi %mul3A_73, %add3A_128 : i32
        %mul3A_130 = arith.constant 80 : i32
        %mul3A_131 = arith.muli %add3A_129, %mul3A_130 : i32
        %dma_start3A_132 = tpu.memref_slice %arg5[%mul3A_131] : memref<2000xi32, #tpu.memory_space<vmem>> -> memref<80xi32, #tpu.memory_space<vmem>>
        %dma_start3A_133 = arith.constant 0 : i32
        %dma_start3A_134 = arith.constant 0 : i32
        %dma_start3A_135 = tpu.memref_slice %arg2[%dma_start3A_133, %dma_start3A_134] : memref<10000x384xi32, #tpu.memory_space<hbm>> -> memref<10000x384xi32, #tpu.memory_space<hbm>>
        tpu.enqueue_indirect_dma source(%dma_start3A_135 : memref<10000x384xi32, #tpu.memory_space<hbm>>) target(%arg6 : memref<80x384xi32, #tpu.memory_space<vmem>>) offsets(%dma_start3A_132 : memref<80xi32, #tpu.memory_space<vmem>>) semaphore(%arg8 : memref<!tpu.dma_semaphore, #tpu.memory_space<semaphore_mem>>)
      } else {
      }
    }
    %scan3A_48 = arith.constant 12 : i32
    %dma_wait3A = arith.constant 1920 : i32
    %dma_wait3A_49 = tpu.memref_slice %arg5[%dma_wait3A] : memref<2000xi32, #tpu.memory_space<vmem>> -> memref<80xi32, #tpu.memory_space<vmem>>
    %dma_wait3A_50 = arith.constant 0 : i32
    %dma_wait3A_51 = arith.constant 0 : i32
    %dma_wait3A_52 = tpu.memref_slice %arg2[%dma_wait3A_50, %dma_wait3A_51] : memref<10000x384xi32, #tpu.memory_space<hbm>> -> memref<10000x384xi32, #tpu.memory_space<hbm>>
    tpu.wait_indirect_dma semaphore(%arg8 : memref<!tpu.dma_semaphore, #tpu.memory_space<semaphore_mem>>) src(%dma_wait3A_52 : memref<10000x384xi32, #tpu.memory_space<hbm>>) dst(%arg6 : memref<80x384xi32, #tpu.memory_space<vmem>>)
    %add3A_53 = arith.constant 1920 : i32
    %add3A_54 = arith.addi %mul3A_2, %add3A_53 : i32
    %dma_start3A_55 = arith.constant 0 : i32
    %dma_start3A_56 = tpu.memref_slice %arg4[%add3A_54, %dma_start3A_55] : memref<64000x384xi32, #tpu.memory_space<hbm>> -> memref<80x384xi32, #tpu.memory_space<hbm>>
    %dma_start3A_57 = arith.constant 0 : i32
    %dma_start3A_58 = tpu.memref_slice %arg4[%add3A_54, %dma_start3A_57] : memref<64000x384xi32, #tpu.memory_space<hbm>> -> memref<80x384xi32, #tpu.memory_space<hbm>>
    tpu.enqueue_dma source(%arg6 : memref<80x384xi32, #tpu.memory_space<vmem>>) target(%dma_start3A_58 : memref<80x384xi32, #tpu.memory_space<hbm>>) target_semaphore(%arg10 : memref<!tpu.dma_semaphore, #tpu.memory_space<semaphore_mem>>)
    %add3A_59 = arith.constant 1840 : i32
    %add3A_60 = arith.addi %mul3A_2, %add3A_59 : i32
    %dma_wait3A_61 = arith.constant 0 : i32
    %dma_wait3A_62 = tpu.memref_slice %arg4[%add3A_60, %dma_wait3A_61] : memref<64000x384xi32, #tpu.memory_space<hbm>> -> memref<80x384xi32, #tpu.memory_space<hbm>>
    %dma_wait3A_63 = arith.constant 0 : i32
    %dma_wait3A_64 = tpu.memref_slice %arg4[%add3A_60, %dma_wait3A_63] : memref<64000x384xi32, #tpu.memory_space<hbm>> -> memref<80x384xi32, #tpu.memory_space<hbm>>
    tpu.wait_dma2 semaphore(%arg11 : memref<!tpu.dma_semaphore, #tpu.memory_space<semaphore_mem>>) src(%arg7 : memref<80x384xi32, #tpu.memory_space<vmem>>) dst(%dma_wait3A_64 : memref<80x384xi32, #tpu.memory_space<hbm>>)
    %add3A_65 = arith.constant 1920 : i32
    %add3A_66 = arith.addi %mul3A_2, %add3A_65 : i32
    %dma_wait3A_67 = arith.constant 0 : i32
    %dma_wait3A_68 = tpu.memref_slice %arg4[%add3A_66, %dma_wait3A_67] : memref<64000x384xi32, #tpu.memory_space<hbm>> -> memref<80x384xi32, #tpu.memory_space<hbm>>
    %dma_wait3A_69 = arith.constant 0 : i32
    %dma_wait3A_70 = tpu.memref_slice %arg4[%add3A_66, %dma_wait3A_69] : memref<64000x384xi32, #tpu.memory_space<hbm>> -> memref<80x384xi32, #tpu.memory_space<hbm>>
    tpu.wait_dma2 semaphore(%arg10 : memref<!tpu.dma_semaphore, #tpu.memory_space<semaphore_mem>>) src(%arg6 : memref<80x384xi32, #tpu.memory_space<vmem>>) dst(%dma_wait3A_70 : memref<80x384xi32, #tpu.memory_space<hbm>>)
    return
  }
}

#map = affine_map<(d0, d1) -> (0, 0)>
#map1 = affine_map<(d0, d1) -> (0)>
module attributes {stable_mosaic.version = 14 : i64} {
  func.func @gather_kernel(%arg0: i32, %arg1: i32, %arg2: memref<10000x384xi32, #tpu.memory_space<hbm>>, %arg3: memref<160000xi32, #tpu.memory_space<hbm>>, %arg4: memref<96000x384xi32, #tpu.memory_space<hbm>>, %arg5: memref<3000xi32, #tpu.memory_space<vmem>>, %arg6: memref<120x384xi32, #tpu.memory_space<vmem>>, %arg7: memref<120x384xi32, #tpu.memory_space<vmem>>, %arg8: memref<!tpu.dma_semaphore, #tpu.memory_space<semaphore_mem>>, %arg9: memref<!tpu.dma_semaphore, #tpu.memory_space<semaphore_mem>>, %arg10: memref<!tpu.dma_semaphore, #tpu.memory_space<semaphore_mem>>, %arg11: memref<!tpu.dma_semaphore, #tpu.memory_space<semaphore_mem>>) attributes {dimension_semantics = [#tpu.dimension_semantics<core_parallel>, #tpu.dimension_semantics<subcore_parallel>], iteration_bounds = array<i64: 2, 16>, scalar_prefetch = 0 : i64, scratch_operands = 7 : i64, tpu.core_type = #tpu.core_type<sc_vector_subcore>, window_params = [{transform_indices = #map}, {transform_indices = #map1}, {transform_indices = #map}]} {
    %mul3A = arith.constant 2 : i32
    %mul3A_0 = arith.muli %arg1, %mul3A : i32
    %add3A = arith.addi %mul3A_0, %arg0 : i32
    %mul3A_1 = arith.constant 3000 : i32
    %mul3A_2 = arith.muli %add3A, %mul3A_1 : i32
    %jit3A = arith.constant 2 : i32
    %div3A = arith.divsi %add3A, %jit3A : i32
    %sign3A = arith.constant 0 : i32
    %sign3A_3 = arith.cmpi sgt, %add3A, %sign3A : i32
    %sign3A_4 = arith.extui %sign3A_3 : i1 to i32
    %sign3A_5 = arith.constant 0 : i32
    %sign3A_6 = arith.cmpi slt, %add3A, %sign3A_5 : i32
    %sign3A_7 = arith.extui %sign3A_6 : i1 to i32
    %sign3A_8 = arith.subi %sign3A_4, %sign3A_7 : i32
    %sign3A_9 = arith.constant 0 : i32
    %sign3A_10 = arith.cmpi sgt, %jit3A, %sign3A_9 : i32
    %sign3A_11 = arith.extui %sign3A_10 : i1 to i32
    %sign3A_12 = arith.constant 0 : i32
    %sign3A_13 = arith.cmpi slt, %jit3A, %sign3A_12 : i32
    %sign3A_14 = arith.extui %sign3A_13 : i1 to i32
    %sign3A_15 = arith.subi %sign3A_11, %sign3A_14 : i32
    %ne3A = arith.cmpi ne, %sign3A_8, %sign3A_15 : i32
    %rem3A = arith.remsi %add3A, %jit3A : i32
    %ne3A_16 = arith.constant 0 : i32
    %ne3A_17 = arith.cmpi ne, %rem3A, %ne3A_16 : i32
    %and3A = arith.andi %ne3A, %ne3A_17 : i1
    %sub3A = arith.constant 1 : i32
    %sub3A_18 = arith.subi %div3A, %sub3A : i32
    %select_n3A = arith.select %and3A, %sub3A_18, %div3A : i32
    %mul3A_19 = arith.constant 10000 : i32
    %mul3A_20 = arith.muli %select_n3A, %mul3A_19 : i32
    %add3A_21 = arith.constant 0 : i32
    %add3A_22 = arith.addi %mul3A_20, %add3A_21 : i32
    %jit3A_23 = arith.constant 2 : i32
    %eq3A = arith.constant 0 : i32
    %eq3A_24 = arith.cmpi eq, %jit3A_23, %eq3A : i32
    %jit3A_25 = arith.constant 1 : i32
    %select_n3A_26 = arith.select %eq3A_24, %jit3A_25, %jit3A_23 : i32
    %rem3A_27 = arith.remsi %add3A, %select_n3A_26 : i32
    %ne3A_28 = arith.constant 0 : i32
    %ne3A_29 = arith.cmpi ne, %rem3A_27, %ne3A_28 : i32
    %lt3A = arith.constant 0 : i32
    %lt3A_30 = arith.cmpi slt, %rem3A_27, %lt3A : i32
    %lt3A_31 = arith.constant 0 : i32
    %lt3A_32 = arith.cmpi slt, %select_n3A_26, %lt3A_31 : i32
    %ne3A_33 = arith.xori %lt3A_30, %lt3A_32 : i1
    %and3A_34 = arith.andi %ne3A_33, %ne3A_29 : i1
    %add3A_35 = arith.addi %rem3A_27, %select_n3A_26 : i32
    %select_n3A_36 = arith.select %and3A_34, %add3A_35, %rem3A_27 : i32
    %mul3A_37 = arith.constant 3000 : i32
    %mul3A_38 = arith.muli %select_n3A_36, %mul3A_37 : i32
    %add3A_39 = arith.addi %add3A_22, %mul3A_38 : i32
    "tpu.region"() ({
      %run_scoped3A = tpu.sem_alloc : memref<!tpu.dma_semaphore, #tpu.memory_space<semaphore_mem>>
      %dma_start3A_71 = tpu.memref_slice %arg3[%add3A_39] : memref<160000xi32, #tpu.memory_space<hbm>> -> memref<3000xi32, #tpu.memory_space<hbm>>
      %dma_start3A_72 = tpu.memref_slice %arg3[%add3A_39] : memref<160000xi32, #tpu.memory_space<hbm>> -> memref<3000xi32, #tpu.memory_space<hbm>>
      tpu.enqueue_dma source(%dma_start3A_72 : memref<3000xi32, #tpu.memory_space<hbm>>) target(%arg5 : memref<3000xi32, #tpu.memory_space<vmem>>) target_semaphore(%run_scoped3A : memref<!tpu.dma_semaphore, #tpu.memory_space<semaphore_mem>>)
      %dma_wait3A_73 = tpu.memref_slice %arg3[%add3A_39] : memref<160000xi32, #tpu.memory_space<hbm>> -> memref<3000xi32, #tpu.memory_space<hbm>>
      %dma_wait3A_74 = tpu.memref_slice %arg3[%add3A_39] : memref<160000xi32, #tpu.memory_space<hbm>> -> memref<3000xi32, #tpu.memory_space<hbm>>
      tpu.wait_dma2 semaphore(%run_scoped3A : memref<!tpu.dma_semaphore, #tpu.memory_space<semaphore_mem>>) src(%dma_wait3A_74 : memref<3000xi32, #tpu.memory_space<hbm>>) dst(%arg5 : memref<3000xi32, #tpu.memory_space<vmem>>)
      tpu.yield
    }) : () -> ()
    %dma_start3A = arith.constant 0 : i32
    %dma_start3A_40 = tpu.memref_slice %arg5[%dma_start3A] : memref<3000xi32, #tpu.memory_space<vmem>> -> memref<120xi32, #tpu.memory_space<vmem>>
    %dma_start3A_41 = arith.constant 0 : i32
    %dma_start3A_42 = arith.constant 0 : i32
    %dma_start3A_43 = tpu.memref_slice %arg2[%dma_start3A_41, %dma_start3A_42] : memref<10000x384xi32, #tpu.memory_space<hbm>> -> memref<10000x384xi32, #tpu.memory_space<hbm>>
    tpu.enqueue_indirect_dma source(%dma_start3A_43 : memref<10000x384xi32, #tpu.memory_space<hbm>>) target(%arg6 : memref<120x384xi32, #tpu.memory_space<vmem>>) offsets(%dma_start3A_40 : memref<120xi32, #tpu.memory_space<vmem>>) semaphore(%arg8 : memref<!tpu.dma_semaphore, #tpu.memory_space<semaphore_mem>>)
    %scan3A = arith.constant 0 : i32
    %scan3A_44 = arith.constant 0 : i32
    %scan3A_45 = arith.constant 12 : i32
    %scan3A_46 = arith.addi %scan3A_44, %scan3A_45 : i32
    %scan3A_47 = arith.constant 1 : i32
    scf.for %scan3A_71 = %scan3A_44 to %scan3A_46 step %scan3A_47  : i32 {
      %mul3A_72 = arith.constant 2 : i32
      %mul3A_73 = arith.muli %scan3A_71, %mul3A_72 : i32
      %mul3A_74 = arith.constant 120 : i32
      %mul3A_75 = arith.muli %mul3A_73, %mul3A_74 : i32
      %dma_wait3A_76 = tpu.memref_slice %arg5[%mul3A_75] : memref<3000xi32, #tpu.memory_space<vmem>> -> memref<120xi32, #tpu.memory_space<vmem>>
      %dma_wait3A_77 = arith.constant 0 : i32
      %dma_wait3A_78 = arith.constant 0 : i32
      %dma_wait3A_79 = tpu.memref_slice %arg2[%dma_wait3A_77, %dma_wait3A_78] : memref<10000x384xi32, #tpu.memory_space<hbm>> -> memref<10000x384xi32, #tpu.memory_space<hbm>>
      tpu.wait_indirect_dma semaphore(%arg8 : memref<!tpu.dma_semaphore, #tpu.memory_space<semaphore_mem>>) src(%dma_wait3A_79 : memref<10000x384xi32, #tpu.memory_space<hbm>>) dst(%arg6 : memref<120x384xi32, #tpu.memory_space<vmem>>)
      %mul3A_80 = arith.constant 120 : i32
      %mul3A_81 = arith.muli %mul3A_73, %mul3A_80 : i32
      %add3A_82 = arith.addi %mul3A_2, %mul3A_81 : i32
      %dma_start3A_83 = arith.constant 0 : i32
      %dma_start3A_84 = tpu.memref_slice %arg4[%add3A_82, %dma_start3A_83] : memref<96000x384xi32, #tpu.memory_space<hbm>> -> memref<120x384xi32, #tpu.memory_space<hbm>>
      %dma_start3A_85 = arith.constant 0 : i32
      %dma_start3A_86 = tpu.memref_slice %arg4[%add3A_82, %dma_start3A_85] : memref<96000x384xi32, #tpu.memory_space<hbm>> -> memref<120x384xi32, #tpu.memory_space<hbm>>
      tpu.enqueue_dma source(%arg6 : memref<120x384xi32, #tpu.memory_space<vmem>>) target(%dma_start3A_86 : memref<120x384xi32, #tpu.memory_space<hbm>>) target_semaphore(%arg10 : memref<!tpu.dma_semaphore, #tpu.memory_space<semaphore_mem>>)
      %gt3A = arith.constant 0 : i32
      %gt3A_87 = arith.cmpi sgt, %scan3A_71, %gt3A : i32
      %convert_element_type3A = arith.extui %gt3A_87 : i1 to i32
      %cond3A = arith.constant 0 : i32
      %cond3A_88 = arith.cmpi ne, %convert_element_type3A, %cond3A : i32
      scf.if %cond3A_88 {
        %sub3A_128 = arith.constant 1 : i32
        %sub3A_129 = arith.subi %mul3A_73, %sub3A_128 : i32
        %mul3A_130 = arith.constant 120 : i32
        %mul3A_131 = arith.muli %sub3A_129, %mul3A_130 : i32
        %add3A_132 = arith.addi %mul3A_2, %mul3A_131 : i32
        %dma_wait3A_133 = arith.constant 0 : i32
        %dma_wait3A_134 = tpu.memref_slice %arg4[%add3A_132, %dma_wait3A_133] : memref<96000x384xi32, #tpu.memory_space<hbm>> -> memref<120x384xi32, #tpu.memory_space<hbm>>
        %dma_wait3A_135 = arith.constant 0 : i32
        %dma_wait3A_136 = tpu.memref_slice %arg4[%add3A_132, %dma_wait3A_135] : memref<96000x384xi32, #tpu.memory_space<hbm>> -> memref<120x384xi32, #tpu.memory_space<hbm>>
        tpu.wait_dma2 semaphore(%arg11 : memref<!tpu.dma_semaphore, #tpu.memory_space<semaphore_mem>>) src(%arg7 : memref<120x384xi32, #tpu.memory_space<vmem>>) dst(%dma_wait3A_136 : memref<120x384xi32, #tpu.memory_space<hbm>>)
      } else {
      }
      %add3A_89 = arith.constant 1 : i32
      %add3A_90 = arith.addi %mul3A_73, %add3A_89 : i32
      %mul3A_91 = arith.constant 120 : i32
      %mul3A_92 = arith.muli %add3A_90, %mul3A_91 : i32
      %dma_start3A_93 = tpu.memref_slice %arg5[%mul3A_92] : memref<3000xi32, #tpu.memory_space<vmem>> -> memref<120xi32, #tpu.memory_space<vmem>>
      %dma_start3A_94 = arith.constant 0 : i32
      %dma_start3A_95 = arith.constant 0 : i32
      %dma_start3A_96 = tpu.memref_slice %arg2[%dma_start3A_94, %dma_start3A_95] : memref<10000x384xi32, #tpu.memory_space<hbm>> -> memref<10000x384xi32, #tpu.memory_space<hbm>>
      tpu.enqueue_indirect_dma source(%dma_start3A_96 : memref<10000x384xi32, #tpu.memory_space<hbm>>) target(%arg7 : memref<120x384xi32, #tpu.memory_space<vmem>>) offsets(%dma_start3A_93 : memref<120xi32, #tpu.memory_space<vmem>>) semaphore(%arg9 : memref<!tpu.dma_semaphore, #tpu.memory_space<semaphore_mem>>)
      %add3A_97 = arith.constant 1 : i32
      %add3A_98 = arith.addi %mul3A_73, %add3A_97 : i32
      %mul3A_99 = arith.constant 120 : i32
      %mul3A_100 = arith.muli %add3A_98, %mul3A_99 : i32
      %dma_wait3A_101 = tpu.memref_slice %arg5[%mul3A_100] : memref<3000xi32, #tpu.memory_space<vmem>> -> memref<120xi32, #tpu.memory_space<vmem>>
      %dma_wait3A_102 = arith.constant 0 : i32
      %dma_wait3A_103 = arith.constant 0 : i32
      %dma_wait3A_104 = tpu.memref_slice %arg2[%dma_wait3A_102, %dma_wait3A_103] : memref<10000x384xi32, #tpu.memory_space<hbm>> -> memref<10000x384xi32, #tpu.memory_space<hbm>>
      tpu.wait_indirect_dma semaphore(%arg9 : memref<!tpu.dma_semaphore, #tpu.memory_space<semaphore_mem>>) src(%dma_wait3A_104 : memref<10000x384xi32, #tpu.memory_space<hbm>>) dst(%arg7 : memref<120x384xi32, #tpu.memory_space<vmem>>)
      %add3A_105 = arith.constant 1 : i32
      %add3A_106 = arith.addi %mul3A_73, %add3A_105 : i32
      %mul3A_107 = arith.constant 120 : i32
      %mul3A_108 = arith.muli %add3A_106, %mul3A_107 : i32
      %add3A_109 = arith.addi %mul3A_2, %mul3A_108 : i32
      %dma_start3A_110 = arith.constant 0 : i32
      %dma_start3A_111 = tpu.memref_slice %arg4[%add3A_109, %dma_start3A_110] : memref<96000x384xi32, #tpu.memory_space<hbm>> -> memref<120x384xi32, #tpu.memory_space<hbm>>
      %dma_start3A_112 = arith.constant 0 : i32
      %dma_start3A_113 = tpu.memref_slice %arg4[%add3A_109, %dma_start3A_112] : memref<96000x384xi32, #tpu.memory_space<hbm>> -> memref<120x384xi32, #tpu.memory_space<hbm>>
      tpu.enqueue_dma source(%arg7 : memref<120x384xi32, #tpu.memory_space<vmem>>) target(%dma_start3A_113 : memref<120x384xi32, #tpu.memory_space<hbm>>) target_semaphore(%arg11 : memref<!tpu.dma_semaphore, #tpu.memory_space<semaphore_mem>>)
      %mul3A_114 = arith.constant 120 : i32
      %mul3A_115 = arith.muli %mul3A_73, %mul3A_114 : i32
      %add3A_116 = arith.addi %mul3A_2, %mul3A_115 : i32
      %dma_wait3A_117 = arith.constant 0 : i32
      %dma_wait3A_118 = tpu.memref_slice %arg4[%add3A_116, %dma_wait3A_117] : memref<96000x384xi32, #tpu.memory_space<hbm>> -> memref<120x384xi32, #tpu.memory_space<hbm>>
      %dma_wait3A_119 = arith.constant 0 : i32
      %dma_wait3A_120 = tpu.memref_slice %arg4[%add3A_116, %dma_wait3A_119] : memref<96000x384xi32, #tpu.memory_space<hbm>> -> memref<120x384xi32, #tpu.memory_space<hbm>>
      tpu.wait_dma2 semaphore(%arg10 : memref<!tpu.dma_semaphore, #tpu.memory_space<semaphore_mem>>) src(%arg6 : memref<120x384xi32, #tpu.memory_space<vmem>>) dst(%dma_wait3A_120 : memref<120x384xi32, #tpu.memory_space<hbm>>)
      %add3A_121 = arith.constant 2 : i32
      %add3A_122 = arith.addi %mul3A_73, %add3A_121 : i32
      %lt3A_123 = arith.constant 25 : i32
      %lt3A_124 = arith.cmpi slt, %add3A_122, %lt3A_123 : i32
      %convert_element_type3A_125 = arith.extui %lt3A_124 : i1 to i32
      %cond3A_126 = arith.constant 0 : i32
      %cond3A_127 = arith.cmpi ne, %convert_element_type3A_125, %cond3A_126 : i32
      scf.if %cond3A_127 {
        %add3A_128 = arith.constant 2 : i32
        %add3A_129 = arith.addi %mul3A_73, %add3A_128 : i32
        %mul3A_130 = arith.constant 120 : i32
        %mul3A_131 = arith.muli %add3A_129, %mul3A_130 : i32
        %dma_start3A_132 = tpu.memref_slice %arg5[%mul3A_131] : memref<3000xi32, #tpu.memory_space<vmem>> -> memref<120xi32, #tpu.memory_space<vmem>>
        %dma_start3A_133 = arith.constant 0 : i32
        %dma_start3A_134 = arith.constant 0 : i32
        %dma_start3A_135 = tpu.memref_slice %arg2[%dma_start3A_133, %dma_start3A_134] : memref<10000x384xi32, #tpu.memory_space<hbm>> -> memref<10000x384xi32, #tpu.memory_space<hbm>>
        tpu.enqueue_indirect_dma source(%dma_start3A_135 : memref<10000x384xi32, #tpu.memory_space<hbm>>) target(%arg6 : memref<120x384xi32, #tpu.memory_space<vmem>>) offsets(%dma_start3A_132 : memref<120xi32, #tpu.memory_space<vmem>>) semaphore(%arg8 : memref<!tpu.dma_semaphore, #tpu.memory_space<semaphore_mem>>)
      } else {
      }
    }
    %scan3A_48 = arith.constant 12 : i32
    %dma_wait3A = arith.constant 2880 : i32
    %dma_wait3A_49 = tpu.memref_slice %arg5[%dma_wait3A] : memref<3000xi32, #tpu.memory_space<vmem>> -> memref<120xi32, #tpu.memory_space<vmem>>
    %dma_wait3A_50 = arith.constant 0 : i32
    %dma_wait3A_51 = arith.constant 0 : i32
    %dma_wait3A_52 = tpu.memref_slice %arg2[%dma_wait3A_50, %dma_wait3A_51] : memref<10000x384xi32, #tpu.memory_space<hbm>> -> memref<10000x384xi32, #tpu.memory_space<hbm>>
    tpu.wait_indirect_dma semaphore(%arg8 : memref<!tpu.dma_semaphore, #tpu.memory_space<semaphore_mem>>) src(%dma_wait3A_52 : memref<10000x384xi32, #tpu.memory_space<hbm>>) dst(%arg6 : memref<120x384xi32, #tpu.memory_space<vmem>>)
    %add3A_53 = arith.constant 2880 : i32
    %add3A_54 = arith.addi %mul3A_2, %add3A_53 : i32
    %dma_start3A_55 = arith.constant 0 : i32
    %dma_start3A_56 = tpu.memref_slice %arg4[%add3A_54, %dma_start3A_55] : memref<96000x384xi32, #tpu.memory_space<hbm>> -> memref<120x384xi32, #tpu.memory_space<hbm>>
    %dma_start3A_57 = arith.constant 0 : i32
    %dma_start3A_58 = tpu.memref_slice %arg4[%add3A_54, %dma_start3A_57] : memref<96000x384xi32, #tpu.memory_space<hbm>> -> memref<120x384xi32, #tpu.memory_space<hbm>>
    tpu.enqueue_dma source(%arg6 : memref<120x384xi32, #tpu.memory_space<vmem>>) target(%dma_start3A_58 : memref<120x384xi32, #tpu.memory_space<hbm>>) target_semaphore(%arg10 : memref<!tpu.dma_semaphore, #tpu.memory_space<semaphore_mem>>)
    %add3A_59 = arith.constant 2760 : i32
    %add3A_60 = arith.addi %mul3A_2, %add3A_59 : i32
    %dma_wait3A_61 = arith.constant 0 : i32
    %dma_wait3A_62 = tpu.memref_slice %arg4[%add3A_60, %dma_wait3A_61] : memref<96000x384xi32, #tpu.memory_space<hbm>> -> memref<120x384xi32, #tpu.memory_space<hbm>>
    %dma_wait3A_63 = arith.constant 0 : i32
    %dma_wait3A_64 = tpu.memref_slice %arg4[%add3A_60, %dma_wait3A_63] : memref<96000x384xi32, #tpu.memory_space<hbm>> -> memref<120x384xi32, #tpu.memory_space<hbm>>
    tpu.wait_dma2 semaphore(%arg11 : memref<!tpu.dma_semaphore, #tpu.memory_space<semaphore_mem>>) src(%arg7 : memref<120x384xi32, #tpu.memory_space<vmem>>) dst(%dma_wait3A_64 : memref<120x384xi32, #tpu.memory_space<hbm>>)
    %add3A_65 = arith.constant 2880 : i32
    %add3A_66 = arith.addi %mul3A_2, %add3A_65 : i32
    %dma_wait3A_67 = arith.constant 0 : i32
    %dma_wait3A_68 = tpu.memref_slice %arg4[%add3A_66, %dma_wait3A_67] : memref<96000x384xi32, #tpu.memory_space<hbm>> -> memref<120x384xi32, #tpu.memory_space<hbm>>
    %dma_wait3A_69 = arith.constant 0 : i32
    %dma_wait3A_70 = tpu.memref_slice %arg4[%add3A_66, %dma_wait3A_69] : memref<96000x384xi32, #tpu.memory_space<hbm>> -> memref<120x384xi32, #tpu.memory_space<hbm>>
    tpu.wait_dma2 semaphore(%arg10 : memref<!tpu.dma_semaphore, #tpu.memory_space<semaphore_mem>>) src(%arg6 : memref<120x384xi32, #tpu.memory_space<vmem>>) dst(%dma_wait3A_70 : memref<120x384xi32, #tpu.memory_space<hbm>>)
    return
  }
}

module attributes {stable_mosaic.version = 14 : i64} {
  func.func @_proj_body(%arg0: i32, %arg1: memref<400x256xf32, #tpu.memory_space<vmem>>, %arg2: memref<400x128xf32, #tpu.memory_space<vmem>>, %arg3: memref<256x256xf32, #tpu.memory_space<vmem>>, %arg4: memref<1x256xf32, #tpu.memory_space<vmem>>, %arg5: memref<256x512xf32, #tpu.memory_space<vmem>>, %arg6: memref<1x512xf32, #tpu.memory_space<vmem>>, %arg7: memref<400x256xf32, #tpu.memory_space<vmem>>, %arg8: memref<400x384xi32, #tpu.memory_space<vmem>>) attributes {dimension_semantics = [#tpu.dimension_semantics<arbitrary>], iteration_bounds = array<i64: 25>, scalar_prefetch = 0 : i64, scratch_operands = 0 : i64, tpu.core_type = #tpu.core_type<tc>, window_params = [{transform_indices = @transform_0, window_bounds = array<i64: 400, 256>}, {transform_indices = @transform_1, window_bounds = array<i64: 400, 128>}, {pipeline_mode = #tpu.pipeline_mode<synchronous>, transform_indices = @transform_2, window_bounds = array<i64: 256, 256>}, {pipeline_mode = #tpu.pipeline_mode<synchronous>, transform_indices = @transform_3, window_bounds = array<i64: 1, 256>}, {pipeline_mode = #tpu.pipeline_mode<synchronous>, transform_indices = @transform_4, window_bounds = array<i64: 256, 512>}, {pipeline_mode = #tpu.pipeline_mode<synchronous>, transform_indices = @transform_5, window_bounds = array<i64: 1, 512>}, {transform_indices = @transform_6, window_bounds = array<i64: 400, 256>}, {transform_indices = @transform_7, window_bounds = array<i64: 400, 384>}]} {
    %get3A = arith.constant 0 : index
    %get3A_0 = arith.constant 0 : index
    %get3A_1 = vector.load %arg1[%get3A, %get3A_0] : memref<400x256xf32, #tpu.memory_space<vmem>>, vector<400x256xf32>
    %get3A_2 = arith.constant 0 : index
    %get3A_3 = arith.constant 0 : index
    %get3A_4 = vector.load %arg3[%get3A_2, %get3A_3] : memref<256x256xf32, #tpu.memory_space<vmem>>, vector<256x256xf32>
    %dot_general3A = arith.constant dense<0.000000e+00> : vector<400x256xf32>
    %dot_general3A_5 = tpu.matmul %get3A_1, %get3A_4, %dot_general3A {dimension_numbers = #tpu.dot_dimension_numbers<[1], [0], [0], [1], [0, 0, 1, 1], [], []>, transpose_lhs_hint = false} : vector<400x256xf32>, vector<256x256xf32>, vector<400x256xf32> -> vector<400x256xf32>
    %get3A_6 = arith.constant 0 : index
    %get3A_7 = arith.constant 0 : index
    %get3A_8 = vector.load %arg4[%get3A_6, %get3A_7] : memref<1x256xf32, #tpu.memory_space<vmem>>, vector<1x256xf32>
    %add3A = vector.broadcast %get3A_8 : vector<1x256xf32> to vector<400x256xf32>
    %add3A_9 = arith.addf %dot_general3A_5, %add3A : vector<400x256xf32>
    %swap3A = arith.constant 0 : index
    %swap3A_10 = arith.constant 0 : index
    %swap3A_11 = vector.load %arg7[%swap3A, %swap3A_10] : memref<400x256xf32, #tpu.memory_space<vmem>>, vector<400x256xf32>
    tpu.vector_store %arg7[%swap3A, %swap3A_10], %add3A_9 {strides = array<i32>} : memref<400x256xf32, #tpu.memory_space<vmem>>, vector<400x256xf32>,
    %get3A_12 = arith.constant 0 : index
    %get3A_13 = arith.constant 0 : index
    %get3A_14 = vector.load %arg5[%get3A_12, %get3A_13] : memref<256x512xf32, #tpu.memory_space<vmem>>, vector<256x512xf32>
    %dot_general3A_15 = arith.constant dense<0.000000e+00> : vector<400x512xf32>
    %dot_general3A_16 = tpu.matmul %get3A_1, %get3A_14, %dot_general3A_15 {dimension_numbers = #tpu.dot_dimension_numbers<[1], [0], [0], [1], [0, 0, 1, 1], [], []>, transpose_lhs_hint = false} : vector<400x256xf32>, vector<256x512xf32>, vector<400x512xf32> -> vector<400x512xf32>
    %get3A_17 = arith.constant 0 : index
    %get3A_18 = arith.constant 0 : index
    %get3A_19 = vector.load %arg6[%get3A_17, %get3A_18] : memref<1x512xf32, #tpu.memory_space<vmem>>, vector<1x512xf32>
    %add3A_20 = vector.broadcast %get3A_19 : vector<1x512xf32> to vector<400x512xf32>
    %add3A_21 = arith.addf %dot_general3A_16, %add3A_20 : vector<400x512xf32>
    %slice3A = vector.extract_strided_slice %add3A_21 {offsets = [0, 0], sizes = [400, 256], strides = [1, 1]} : vector<400x512xf32> to vector<400x256xf32>
    %convert_element_type3A = arith.truncf %slice3A : vector<400x256xf32> to vector<400x256xbf16>
    %bitcast_convert_type3A = tpu.bitcast %convert_element_type3A : vector<400x256xbf16> -> vector<400x256xi16>
    %slice3A_22 = vector.extract_strided_slice %add3A_21 {offsets = [0, 256], sizes = [400, 256], strides = [1, 1]} : vector<400x512xf32> to vector<400x256xf32>
    %convert_element_type3A_23 = arith.truncf %slice3A_22 : vector<400x256xf32> to vector<400x256xbf16>
    %bitcast_convert_type3A_24 = tpu.bitcast %convert_element_type3A_23 : vector<400x256xbf16> -> vector<400x256xi16>
    %convert_element_type3A_25 = arith.extui %bitcast_convert_type3A : vector<400x256xi16> to vector<400x256xi32>
    %convert_element_type3A_26 = arith.extui %bitcast_convert_type3A_24 : vector<400x256xi16> to vector<400x256xi32>
    %shift_left3A = arith.constant 16 : i32
    %shift_left3A_27 = vector.broadcast %shift_left3A : i32 to vector<400x256xi32>
    %shift_left3A_28 = arith.shli %convert_element_type3A_26, %shift_left3A_27 : vector<400x256xi32>
    %or3A = arith.ori %convert_element_type3A_25, %shift_left3A_28 : vector<400x256xi32>
    %get3A_29 = arith.constant 0 : index
    %get3A_30 = arith.constant 0 : index
    %get3A_31 = vector.load %arg2[%get3A_29, %get3A_30] : memref<400x128xf32, #tpu.memory_space<vmem>>, vector<400x128xf32>
    %bitcast_convert_type3A_32 = tpu.bitcast %get3A_31 : vector<400x128xf32> -> vector<400x128xi32>
    %bitcast_convert_type3A_33 = tpu.bitcast %or3A : vector<400x256xi32> -> vector<400x256xi32>
    %concatenate3A = tpu.concatenate %bitcast_convert_type3A_33, %bitcast_convert_type3A_32 in 1 : vector<400x256xi32>, vector<400x128xi32> -> vector<400x384xi32>
    %swap3A_34 = arith.constant 0 : index
    %swap3A_35 = arith.constant 0 : index
    %swap3A_36 = vector.load %arg8[%swap3A_34, %swap3A_35] : memref<400x384xi32, #tpu.memory_space<vmem>>, vector<400x384xi32>
    tpu.vector_store %arg8[%swap3A_34, %swap3A_35], %concatenate3A {strides = array<i32>} : memref<400x384xi32, #tpu.memory_space<vmem>>, vector<400x384xi32>,
    return
  }
  func.func @transform_0(%arg0: i32) -> (i32, i32) {
    %c0_i32 = arith.constant 0 : i32
    %c0_i32_0 = arith.constant 0 : i32
    return %arg0, %c0_i32 : i32, i32
  }
  func.func @transform_1(%arg0: i32) -> (i32, i32) {
    %c0_i32 = arith.constant 0 : i32
    %c0_i32_0 = arith.constant 0 : i32
    return %arg0, %c0_i32 : i32, i32
  }
  func.func @transform_2(%arg0: i32) -> (i32, i32) {
    %c0_i32 = arith.constant 0 : i32
    %c0_i32_0 = arith.constant 0 : i32
    %c0_i32_1 = arith.constant 0 : i32
    return %c0_i32, %c0_i32_0 : i32, i32
  }
  func.func @transform_3(%arg0: i32) -> (i32, i32) {
    %c0_i32 = arith.constant 0 : i32
    %c0_i32_0 = arith.constant 0 : i32
    %c0_i32_1 = arith.constant 0 : i32
    return %c0_i32, %c0_i32_0 : i32, i32
  }
  func.func @transform_4(%arg0: i32) -> (i32, i32) {
    %c0_i32 = arith.constant 0 : i32
    %c0_i32_0 = arith.constant 0 : i32
    %c0_i32_1 = arith.constant 0 : i32
    return %c0_i32, %c0_i32_0 : i32, i32
  }
  func.func @transform_5(%arg0: i32) -> (i32, i32) {
    %c0_i32 = arith.constant 0 : i32
    %c0_i32_0 = arith.constant 0 : i32
    %c0_i32_1 = arith.constant 0 : i32
    return %c0_i32, %c0_i32_0 : i32, i32
  }
  func.func @transform_6(%arg0: i32) -> (i32, i32) {
    %c0_i32 = arith.constant 0 : i32
    %c0_i32_0 = arith.constant 0 : i32
    return %arg0, %c0_i32 : i32, i32
  }
  func.func @transform_7(%arg0: i32) -> (i32, i32) {
    %c0_i32 = arith.constant 0 : i32
    %c0_i32_0 = arith.constant 0 : i32
    return %arg0, %c0_i32 : i32, i32
  }
}

module attributes {stable_mosaic.version = 14 : i64} {
  func.func @_attn_body(%arg0: i32, %arg1: memref<200x256xf32, #tpu.memory_space<vmem>>, %arg2: memref<200x256xf32, #tpu.memory_space<vmem>>, %arg3: memref<200x128xf32, #tpu.memory_space<vmem>>, %arg4: memref<16x200x384xi32, #tpu.memory_space<vmem>>, %arg5: memref<256x256xf32, #tpu.memory_space<vmem>>, %arg6: memref<1x256xf32, #tpu.memory_space<vmem>>, %arg7: memref<128x64xf32, #tpu.memory_space<vmem>>, %arg8: memref<1x64xf32, #tpu.memory_space<vmem>>, %arg9: memref<64x8xf32, #tpu.memory_space<vmem>>, %arg10: memref<1x8xf32, #tpu.memory_space<vmem>>, %arg11: memref<256x8xbf16, #tpu.memory_space<vmem>>, %arg12: memref<8x256xbf16, #tpu.memory_space<vmem>>, %arg13: memref<8x256xf32, #tpu.memory_space<vmem>>, %arg14: memref<1x256xf32, #tpu.memory_space<vmem>>, %arg15: memref<1x256xf32, #tpu.memory_space<vmem>>, %arg16: memref<200x256xf32, #tpu.memory_space<vmem>>) attributes {dimension_semantics = [#tpu.dimension_semantics<arbitrary>], iteration_bounds = array<i64: 20>, scalar_prefetch = 0 : i64, scratch_operands = 0 : i64, tpu.core_type = #tpu.core_type<tc>, window_params = [{transform_indices = @transform_0, window_bounds = array<i64: 200, 256>}, {transform_indices = @transform_1, window_bounds = array<i64: 200, 256>}, {transform_indices = @transform_2, window_bounds = array<i64: 200, 128>}, {transform_indices = @transform_3, window_bounds = array<i64: 16, 200, 384>}, {pipeline_mode = #tpu.pipeline_mode<synchronous>, transform_indices = @transform_4, window_bounds = array<i64: 256, 256>}, {pipeline_mode = #tpu.pipeline_mode<synchronous>, transform_indices = @transform_5, window_bounds = array<i64: 1, 256>}, {pipeline_mode = #tpu.pipeline_mode<synchronous>, transform_indices = @transform_6, window_bounds = array<i64: 128, 64>}, {pipeline_mode = #tpu.pipeline_mode<synchronous>, transform_indices = @transform_7, window_bounds = array<i64: 1, 64>}, {pipeline_mode = #tpu.pipeline_mode<synchronous>, transform_indices = @transform_8, window_bounds = array<i64: 64, 8>}, {pipeline_mode = #tpu.pipeline_mode<synchronous>, transform_indices = @transform_9, window_bounds = array<i64: 1, 8>}, {pipeline_mode = #tpu.pipeline_mode<synchronous>, transform_indices = @transform_10, window_bounds = array<i64: 256, 8>}, {pipeline_mode = #tpu.pipeline_mode<synchronous>, transform_indices = @transform_11, window_bounds = array<i64: 8, 256>}, {pipeline_mode = #tpu.pipeline_mode<synchronous>, transform_indices = @transform_12, window_bounds = array<i64: 8, 256>}, {pipeline_mode = #tpu.pipeline_mode<synchronous>, transform_indices = @transform_13, window_bounds = array<i64: 1, 256>}, {pipeline_mode = #tpu.pipeline_mode<synchronous>, transform_indices = @transform_14, window_bounds = array<i64: 1, 256>}, {transform_indices = @transform_15, window_bounds = array<i64: 200, 256>}]} {
    %get3A = arith.constant 0 : index
    %get3A_0 = arith.constant 0 : index
    %get3A_1 = arith.constant 0 : index
    %get3A_2 = vector.load %arg4[%get3A, %get3A_0, %get3A_1] : memref<16x200x384xi32, #tpu.memory_space<vmem>>, vector<16x200x384xi32>
    %slice3A = vector.extract_strided_slice %get3A_2 {offsets = [0, 0, 0], sizes = [16, 200, 256], strides = [1, 1, 1]} : vector<16x200x384xi32> to vector<16x200x256xi32>
    %shift_left3A = arith.constant 16 : i32
    %shift_left3A_3 = vector.broadcast %shift_left3A : i32 to vector<16x200x256xi32>
    %shift_left3A_4 = arith.shli %slice3A, %shift_left3A_3 : vector<16x200x256xi32>
    %bitcast_convert_type3A = tpu.bitcast %shift_left3A_4 : vector<16x200x256xi32> -> vector<16x200x256xf32>
    %and3A = arith.constant -65536 : i32
    %and3A_5 = vector.broadcast %and3A : i32 to vector<16x200x256xi32>
    %and3A_6 = arith.andi %slice3A, %and3A_5 : vector<16x200x256xi32>
    %bitcast_convert_type3A_7 = tpu.bitcast %and3A_6 : vector<16x200x256xi32> -> vector<16x200x256xf32>
    %slice3A_8 = vector.extract_strided_slice %get3A_2 {offsets = [0, 0, 256], sizes = [16, 200, 128], strides = [1, 1, 1]} : vector<16x200x384xi32> to vector<16x200x128xi32>
    %bitcast_convert_type3A_9 = tpu.bitcast %slice3A_8 : vector<16x200x128xi32> -> vector<16x200x128xf32>
    %get3A_10 = arith.constant 0 : index
    %get3A_11 = arith.constant 0 : index
    %get3A_12 = vector.load %arg1[%get3A_10, %get3A_11] : memref<200x256xf32, #tpu.memory_space<vmem>>, vector<200x256xf32>
    %broadcast_in_dim3A = vector.shape_cast %get3A_12 : vector<200x256xf32> to vector<1x200x256xf32>
    %mul3A = vector.broadcast %broadcast_in_dim3A : vector<1x200x256xf32> to vector<16x200x256xf32>
    %mul3A_13 = arith.mulf %bitcast_convert_type3A, %mul3A : vector<16x200x256xf32>
    %reshape3A = vector.shape_cast %mul3A_13 : vector<16x200x256xf32> to vector<3200x256xf32>
    %convert_element_type3A = arith.truncf %reshape3A : vector<3200x256xf32> to vector<3200x256xbf16>
    %get3A_14 = arith.constant 0 : index
    %get3A_15 = arith.constant 0 : index
    %get3A_16 = vector.load %arg11[%get3A_14, %get3A_15] : memref<256x8xbf16, #tpu.memory_space<vmem>>, vector<256x8xbf16>
    %dot_general3A = arith.constant dense<0.000000e+00> : vector<3200x8xf32>
    %dot_general3A_17 = tpu.matmul %convert_element_type3A, %get3A_16, %dot_general3A {dimension_numbers = #tpu.dot_dimension_numbers<[1], [0], [0], [1], [0, 0, 1, 1], [], []>, transpose_lhs_hint = false} : vector<3200x256xbf16>, vector<256x8xbf16>, vector<3200x8xf32> -> vector<3200x8xf32>
    %mul3A_18 = arith.constant 0.176776692 : f32
    %mul3A_19 = vector.broadcast %mul3A_18 : f32 to vector<3200x8xf32>
    %mul3A_20 = arith.mulf %dot_general3A_17, %mul3A_19 : vector<3200x8xf32>
    %get3A_21 = arith.constant 0 : index
    %get3A_22 = arith.constant 0 : index
    %get3A_23 = vector.load %arg3[%get3A_21, %get3A_22] : memref<200x128xf32, #tpu.memory_space<vmem>>, vector<200x128xf32>
    %broadcast_in_dim3A_24 = vector.shape_cast %get3A_23 : vector<200x128xf32> to vector<1x200x128xf32>
    %sub3A = vector.broadcast %broadcast_in_dim3A_24 : vector<1x200x128xf32> to vector<16x200x128xf32>
    %sub3A_25 = arith.subf %bitcast_convert_type3A_9, %sub3A : vector<16x200x128xf32>
    %reshape3A_26 = vector.shape_cast %sub3A_25 : vector<16x200x128xf32> to vector<3200x128xf32>
    %get3A_27 = arith.constant 0 : index
    %get3A_28 = arith.constant 0 : index
    %get3A_29 = vector.load %arg7[%get3A_27, %get3A_28] : memref<128x64xf32, #tpu.memory_space<vmem>>, vector<128x64xf32>
    %dot_general3A_30 = arith.constant dense<0.000000e+00> : vector<3200x64xf32>
    %dot_general3A_31 = tpu.matmul %reshape3A_26, %get3A_29, %dot_general3A_30 {dimension_numbers = #tpu.dot_dimension_numbers<[1], [0], [0], [1], [0, 0, 1, 1], [], []>, transpose_lhs_hint = false} : vector<3200x128xf32>, vector<128x64xf32>, vector<3200x64xf32> -> vector<3200x64xf32>
    %get3A_32 = arith.constant 0 : index
    %get3A_33 = arith.constant 0 : index
    %get3A_34 = vector.load %arg8[%get3A_32, %get3A_33] : memref<1x64xf32, #tpu.memory_space<vmem>>, vector<1x64xf32>
    %add3A = vector.broadcast %get3A_34 : vector<1x64xf32> to vector<3200x64xf32>
    %add3A_35 = arith.addf %dot_general3A_31, %add3A : vector<3200x64xf32>
    %mul3A_36 = arith.mulf %add3A_35, %add3A_35 : vector<3200x64xf32>
    %mul3A_37 = arith.constant 4.471500e-02 : f32
    %mul3A_38 = vector.broadcast %mul3A_37 : f32 to vector<3200x64xf32>
    %mul3A_39 = arith.mulf %mul3A_38, %mul3A_36 : vector<3200x64xf32>
    %add3A_40 = arith.constant 1.000000e+00 : f32
    %add3A_41 = vector.broadcast %add3A_40 : f32 to vector<3200x64xf32>
    %add3A_42 = arith.addf %add3A_41, %mul3A_39 : vector<3200x64xf32>
    %mul3A_43 = arith.mulf %add3A_35, %add3A_42 : vector<3200x64xf32>
    %mul3A_44 = arith.constant 5.000000e-01 : f32
    %mul3A_45 = vector.broadcast %mul3A_44 : f32 to vector<3200x64xf32>
    %mul3A_46 = arith.mulf %mul3A_45, %add3A_35 : vector<3200x64xf32>
    %mul3A_47 = arith.constant 0.797884583 : f32
    %mul3A_48 = vector.broadcast %mul3A_47 : f32 to vector<3200x64xf32>
    %mul3A_49 = arith.mulf %mul3A_48, %mul3A_43 : vector<3200x64xf32>
    %tanh3A = math.tanh %mul3A_49 : vector<3200x64xf32>
    %add3A_50 = arith.constant 1.000000e+00 : f32
    %add3A_51 = vector.broadcast %add3A_50 : f32 to vector<3200x64xf32>
    %add3A_52 = arith.addf %add3A_51, %tanh3A : vector<3200x64xf32>
    %mul3A_53 = arith.mulf %mul3A_46, %add3A_52 : vector<3200x64xf32>
    %get3A_54 = arith.constant 0 : index
    %get3A_55 = arith.constant 0 : index
    %get3A_56 = vector.load %arg9[%get3A_54, %get3A_55] : memref<64x8xf32, #tpu.memory_space<vmem>>, vector<64x8xf32>
    %dot_general3A_57 = arith.constant dense<0.000000e+00> : vector<3200x8xf32>
    %dot_general3A_58 = tpu.matmul %mul3A_53, %get3A_56, %dot_general3A_57 {dimension_numbers = #tpu.dot_dimension_numbers<[1], [0], [0], [1], [0, 0, 1, 1], [], []>, transpose_lhs_hint = false} : vector<3200x64xf32>, vector<64x8xf32>, vector<3200x8xf32> -> vector<3200x8xf32>
    %add3A_59 = arith.addf %mul3A_20, %dot_general3A_58 : vector<3200x8xf32>
    %get3A_60 = arith.constant 0 : index
    %get3A_61 = arith.constant 0 : index
    %get3A_62 = vector.load %arg10[%get3A_60, %get3A_61] : memref<1x8xf32, #tpu.memory_space<vmem>>, vector<1x8xf32>
    %add3A_63 = vector.broadcast %get3A_62 : vector<1x8xf32> to vector<3200x8xf32>
    %add3A_64 = arith.addf %add3A_59, %add3A_63 : vector<3200x8xf32>
    %reshape3A_65 = vector.shape_cast %add3A_64 : vector<3200x8xf32> to vector<16x200x8xf32>
    %reduce_max3A = arith.constant dense<0xFF800000> : vector<200x8xf32>
    %reduce_max3A_66 = vector.multi_reduction <maximumf>, %reshape3A_65, %reduce_max3A [0] : vector<16x200x8xf32> to vector<200x8xf32>
    %broadcast_in_dim3A_67 = vector.shape_cast %reduce_max3A_66 : vector<200x8xf32> to vector<1x200x8xf32>
    %sub3A_68 = vector.broadcast %broadcast_in_dim3A_67 : vector<1x200x8xf32> to vector<16x200x8xf32>
    %sub3A_69 = arith.subf %reshape3A_65, %sub3A_68 : vector<16x200x8xf32>
    %exp3A = math.exp %sub3A_69 : vector<16x200x8xf32>
    %reduce_sum3A = arith.constant dense<0.000000e+00> : vector<200x8xf32>
    %reduce_sum3A_70 = vector.multi_reduction <add>, %exp3A, %reduce_sum3A [0] : vector<16x200x8xf32> to vector<200x8xf32>
    %reshape3A_71 = vector.shape_cast %exp3A : vector<16x200x8xf32> to vector<3200x8xf32>
    %convert_element_type3A_72 = arith.truncf %reshape3A_71 : vector<3200x8xf32> to vector<3200x8xbf16>
    %get3A_73 = arith.constant 0 : index
    %get3A_74 = arith.constant 0 : index
    %get3A_75 = vector.load %arg12[%get3A_73, %get3A_74] : memref<8x256xbf16, #tpu.memory_space<vmem>>, vector<8x256xbf16>
    %dot_general3A_76 = arith.constant dense<0.000000e+00> : vector<3200x256xf32>
    %dot_general3A_77 = tpu.matmul %convert_element_type3A_72, %get3A_75, %dot_general3A_76 {dimension_numbers = #tpu.dot_dimension_numbers<[1], [0], [0], [1], [0, 0, 1, 1], [], []>, transpose_lhs_hint = false} : vector<3200x8xbf16>, vector<8x256xbf16>, vector<3200x256xf32> -> vector<3200x256xf32>
    %reshape3A_78 = vector.shape_cast %dot_general3A_77 : vector<3200x256xf32> to vector<16x200x256xf32>
    %div3A = arith.constant 1.000000e+00 : f32
    %div3A_79 = vector.broadcast %div3A : f32 to vector<200x8xf32>
    %div3A_80 = arith.divf %div3A_79, %reduce_sum3A_70 : vector<200x8xf32>
    %get3A_81 = arith.constant 0 : index
    %get3A_82 = arith.constant 0 : index
    %get3A_83 = vector.load %arg13[%get3A_81, %get3A_82] : memref<8x256xf32, #tpu.memory_space<vmem>>, vector<8x256xf32>
    %dot_general3A_84 = arith.constant dense<0.000000e+00> : vector<200x256xf32>
    %dot_general3A_85 = tpu.matmul %div3A_80, %get3A_83, %dot_general3A_84 {dimension_numbers = #tpu.dot_dimension_numbers<[1], [0], [0], [1], [0, 0, 1, 1], [], []>, transpose_lhs_hint = false} : vector<200x8xf32>, vector<8x256xf32>, vector<200x256xf32> -> vector<200x256xf32>
    %slice3A_86 = vector.extract_strided_slice %reshape3A_78 {offsets = [0, 0, 0], sizes = [1, 200, 256], strides = [1, 1, 1]} : vector<16x200x256xf32> to vector<1x200x256xf32>
    %squeeze3A = vector.shape_cast %slice3A_86 : vector<1x200x256xf32> to vector<200x256xf32>
    %slice3A_87 = vector.extract_strided_slice %bitcast_convert_type3A_7 {offsets = [0, 0, 0], sizes = [1, 200, 256], strides = [1, 1, 1]} : vector<16x200x256xf32> to vector<1x200x256xf32>
    %squeeze3A_88 = vector.shape_cast %slice3A_87 : vector<1x200x256xf32> to vector<200x256xf32>
    %mul3A_89 = arith.mulf %squeeze3A, %squeeze3A_88 : vector<200x256xf32>
    %slice3A_90 = vector.extract_strided_slice %reshape3A_78 {offsets = [1, 0, 0], sizes = [1, 200, 256], strides = [1, 1, 1]} : vector<16x200x256xf32> to vector<1x200x256xf32>
    %squeeze3A_91 = vector.shape_cast %slice3A_90 : vector<1x200x256xf32> to vector<200x256xf32>
    %slice3A_92 = vector.extract_strided_slice %bitcast_convert_type3A_7 {offsets = [1, 0, 0], sizes = [1, 200, 256], strides = [1, 1, 1]} : vector<16x200x256xf32> to vector<1x200x256xf32>
    %squeeze3A_93 = vector.shape_cast %slice3A_92 : vector<1x200x256xf32> to vector<200x256xf32>
    %mul3A_94 = arith.mulf %squeeze3A_91, %squeeze3A_93 : vector<200x256xf32>
    %add3A_95 = arith.addf %mul3A_89, %mul3A_94 : vector<200x256xf32>
    %slice3A_96 = vector.extract_strided_slice %reshape3A_78 {offsets = [2, 0, 0], sizes = [1, 200, 256], strides = [1, 1, 1]} : vector<16x200x256xf32> to vector<1x200x256xf32>
    %squeeze3A_97 = vector.shape_cast %slice3A_96 : vector<1x200x256xf32> to vector<200x256xf32>
    %slice3A_98 = vector.extract_strided_slice %bitcast_convert_type3A_7 {offsets = [2, 0, 0], sizes = [1, 200, 256], strides = [1, 1, 1]} : vector<16x200x256xf32> to vector<1x200x256xf32>
    %squeeze3A_99 = vector.shape_cast %slice3A_98 : vector<1x200x256xf32> to vector<200x256xf32>
    %mul3A_100 = arith.mulf %squeeze3A_97, %squeeze3A_99 : vector<200x256xf32>
    %add3A_101 = arith.addf %add3A_95, %mul3A_100 : vector<200x256xf32>
    %slice3A_102 = vector.extract_strided_slice %reshape3A_78 {offsets = [3, 0, 0], sizes = [1, 200, 256], strides = [1, 1, 1]} : vector<16x200x256xf32> to vector<1x200x256xf32>
    %squeeze3A_103 = vector.shape_cast %slice3A_102 : vector<1x200x256xf32> to vector<200x256xf32>
    %slice3A_104 = vector.extract_strided_slice %bitcast_convert_type3A_7 {offsets = [3, 0, 0], sizes = [1, 200, 256], strides = [1, 1, 1]} : vector<16x200x256xf32> to vector<1x200x256xf32>
    %squeeze3A_105 = vector.shape_cast %slice3A_104 : vector<1x200x256xf32> to vector<200x256xf32>
    %mul3A_106 = arith.mulf %squeeze3A_103, %squeeze3A_105 : vector<200x256xf32>
    %add3A_107 = arith.addf %add3A_101, %mul3A_106 : vector<200x256xf32>
    %slice3A_108 = vector.extract_strided_slice %reshape3A_78 {offsets = [4, 0, 0], sizes = [1, 200, 256], strides = [1, 1, 1]} : vector<16x200x256xf32> to vector<1x200x256xf32>
    %squeeze3A_109 = vector.shape_cast %slice3A_108 : vector<1x200x256xf32> to vector<200x256xf32>
    %slice3A_110 = vector.extract_strided_slice %bitcast_convert_type3A_7 {offsets = [4, 0, 0], sizes = [1, 200, 256], strides = [1, 1, 1]} : vector<16x200x256xf32> to vector<1x200x256xf32>
    %squeeze3A_111 = vector.shape_cast %slice3A_110 : vector<1x200x256xf32> to vector<200x256xf32>
    %mul3A_112 = arith.mulf %squeeze3A_109, %squeeze3A_111 : vector<200x256xf32>
    %add3A_113 = arith.addf %add3A_107, %mul3A_112 : vector<200x256xf32>
    %slice3A_114 = vector.extract_strided_slice %reshape3A_78 {offsets = [5, 0, 0], sizes = [1, 200, 256], strides = [1, 1, 1]} : vector<16x200x256xf32> to vector<1x200x256xf32>
    %squeeze3A_115 = vector.shape_cast %slice3A_114 : vector<1x200x256xf32> to vector<200x256xf32>
    %slice3A_116 = vector.extract_strided_slice %bitcast_convert_type3A_7 {offsets = [5, 0, 0], sizes = [1, 200, 256], strides = [1, 1, 1]} : vector<16x200x256xf32> to vector<1x200x256xf32>
    %squeeze3A_117 = vector.shape_cast %slice3A_116 : vector<1x200x256xf32> to vector<200x256xf32>
    %mul3A_118 = arith.mulf %squeeze3A_115, %squeeze3A_117 : vector<200x256xf32>
    %add3A_119 = arith.addf %add3A_113, %mul3A_118 : vector<200x256xf32>
    %slice3A_120 = vector.extract_strided_slice %reshape3A_78 {offsets = [6, 0, 0], sizes = [1, 200, 256], strides = [1, 1, 1]} : vector<16x200x256xf32> to vector<1x200x256xf32>
    %squeeze3A_121 = vector.shape_cast %slice3A_120 : vector<1x200x256xf32> to vector<200x256xf32>
    %slice3A_122 = vector.extract_strided_slice %bitcast_convert_type3A_7 {offsets = [6, 0, 0], sizes = [1, 200, 256], strides = [1, 1, 1]} : vector<16x200x256xf32> to vector<1x200x256xf32>
    %squeeze3A_123 = vector.shape_cast %slice3A_122 : vector<1x200x256xf32> to vector<200x256xf32>
    %mul3A_124 = arith.mulf %squeeze3A_121, %squeeze3A_123 : vector<200x256xf32>
    %add3A_125 = arith.addf %add3A_119, %mul3A_124 : vector<200x256xf32>
    %slice3A_126 = vector.extract_strided_slice %reshape3A_78 {offsets = [7, 0, 0], sizes = [1, 200, 256], strides = [1, 1, 1]} : vector<16x200x256xf32> to vector<1x200x256xf32>
    %squeeze3A_127 = vector.shape_cast %slice3A_126 : vector<1x200x256xf32> to vector<200x256xf32>
    %slice3A_128 = vector.extract_strided_slice %bitcast_convert_type3A_7 {offsets = [7, 0, 0], sizes = [1, 200, 256], strides = [1, 1, 1]} : vector<16x200x256xf32> to vector<1x200x256xf32>
    %squeeze3A_129 = vector.shape_cast %slice3A_128 : vector<1x200x256xf32> to vector<200x256xf32>
    %mul3A_130 = arith.mulf %squeeze3A_127, %squeeze3A_129 : vector<200x256xf32>
    %add3A_131 = arith.addf %add3A_125, %mul3A_130 : vector<200x256xf32>
    %slice3A_132 = vector.extract_strided_slice %reshape3A_78 {offsets = [8, 0, 0], sizes = [1, 200, 256], strides = [1, 1, 1]} : vector<16x200x256xf32> to vector<1x200x256xf32>
    %squeeze3A_133 = vector.shape_cast %slice3A_132 : vector<1x200x256xf32> to vector<200x256xf32>
    %slice3A_134 = vector.extract_strided_slice %bitcast_convert_type3A_7 {offsets = [8, 0, 0], sizes = [1, 200, 256], strides = [1, 1, 1]} : vector<16x200x256xf32> to vector<1x200x256xf32>
    %squeeze3A_135 = vector.shape_cast %slice3A_134 : vector<1x200x256xf32> to vector<200x256xf32>
    %mul3A_136 = arith.mulf %squeeze3A_133, %squeeze3A_135 : vector<200x256xf32>
    %add3A_137 = arith.addf %add3A_131, %mul3A_136 : vector<200x256xf32>
    %slice3A_138 = vector.extract_strided_slice %reshape3A_78 {offsets = [9, 0, 0], sizes = [1, 200, 256], strides = [1, 1, 1]} : vector<16x200x256xf32> to vector<1x200x256xf32>
    %squeeze3A_139 = vector.shape_cast %slice3A_138 : vector<1x200x256xf32> to vector<200x256xf32>
    %slice3A_140 = vector.extract_strided_slice %bitcast_convert_type3A_7 {offsets = [9, 0, 0], sizes = [1, 200, 256], strides = [1, 1, 1]} : vector<16x200x256xf32> to vector<1x200x256xf32>
    %squeeze3A_141 = vector.shape_cast %slice3A_140 : vector<1x200x256xf32> to vector<200x256xf32>
    %mul3A_142 = arith.mulf %squeeze3A_139, %squeeze3A_141 : vector<200x256xf32>
    %add3A_143 = arith.addf %add3A_137, %mul3A_142 : vector<200x256xf32>
    %slice3A_144 = vector.extract_strided_slice %reshape3A_78 {offsets = [10, 0, 0], sizes = [1, 200, 256], strides = [1, 1, 1]} : vector<16x200x256xf32> to vector<1x200x256xf32>
    %squeeze3A_145 = vector.shape_cast %slice3A_144 : vector<1x200x256xf32> to vector<200x256xf32>
    %slice3A_146 = vector.extract_strided_slice %bitcast_convert_type3A_7 {offsets = [10, 0, 0], sizes = [1, 200, 256], strides = [1, 1, 1]} : vector<16x200x256xf32> to vector<1x200x256xf32>
    %squeeze3A_147 = vector.shape_cast %slice3A_146 : vector<1x200x256xf32> to vector<200x256xf32>
    %mul3A_148 = arith.mulf %squeeze3A_145, %squeeze3A_147 : vector<200x256xf32>
    %add3A_149 = arith.addf %add3A_143, %mul3A_148 : vector<200x256xf32>
    %slice3A_150 = vector.extract_strided_slice %reshape3A_78 {offsets = [11, 0, 0], sizes = [1, 200, 256], strides = [1, 1, 1]} : vector<16x200x256xf32> to vector<1x200x256xf32>
    %squeeze3A_151 = vector.shape_cast %slice3A_150 : vector<1x200x256xf32> to vector<200x256xf32>
    %slice3A_152 = vector.extract_strided_slice %bitcast_convert_type3A_7 {offsets = [11, 0, 0], sizes = [1, 200, 256], strides = [1, 1, 1]} : vector<16x200x256xf32> to vector<1x200x256xf32>
    %squeeze3A_153 = vector.shape_cast %slice3A_152 : vector<1x200x256xf32> to vector<200x256xf32>
    %mul3A_154 = arith.mulf %squeeze3A_151, %squeeze3A_153 : vector<200x256xf32>
    %add3A_155 = arith.addf %add3A_149, %mul3A_154 : vector<200x256xf32>
    %slice3A_156 = vector.extract_strided_slice %reshape3A_78 {offsets = [12, 0, 0], sizes = [1, 200, 256], strides = [1, 1, 1]} : vector<16x200x256xf32> to vector<1x200x256xf32>
    %squeeze3A_157 = vector.shape_cast %slice3A_156 : vector<1x200x256xf32> to vector<200x256xf32>
    %slice3A_158 = vector.extract_strided_slice %bitcast_convert_type3A_7 {offsets = [12, 0, 0], sizes = [1, 200, 256], strides = [1, 1, 1]} : vector<16x200x256xf32> to vector<1x200x256xf32>
    %squeeze3A_159 = vector.shape_cast %slice3A_158 : vector<1x200x256xf32> to vector<200x256xf32>
    %mul3A_160 = arith.mulf %squeeze3A_157, %squeeze3A_159 : vector<200x256xf32>
    %add3A_161 = arith.addf %add3A_155, %mul3A_160 : vector<200x256xf32>
    %slice3A_162 = vector.extract_strided_slice %reshape3A_78 {offsets = [13, 0, 0], sizes = [1, 200, 256], strides = [1, 1, 1]} : vector<16x200x256xf32> to vector<1x200x256xf32>
    %squeeze3A_163 = vector.shape_cast %slice3A_162 : vector<1x200x256xf32> to vector<200x256xf32>
    %slice3A_164 = vector.extract_strided_slice %bitcast_convert_type3A_7 {offsets = [13, 0, 0], sizes = [1, 200, 256], strides = [1, 1, 1]} : vector<16x200x256xf32> to vector<1x200x256xf32>
    %squeeze3A_165 = vector.shape_cast %slice3A_164 : vector<1x200x256xf32> to vector<200x256xf32>
    %mul3A_166 = arith.mulf %squeeze3A_163, %squeeze3A_165 : vector<200x256xf32>
    %add3A_167 = arith.addf %add3A_161, %mul3A_166 : vector<200x256xf32>
    %slice3A_168 = vector.extract_strided_slice %reshape3A_78 {offsets = [14, 0, 0], sizes = [1, 200, 256], strides = [1, 1, 1]} : vector<16x200x256xf32> to vector<1x200x256xf32>
    %squeeze3A_169 = vector.shape_cast %slice3A_168 : vector<1x200x256xf32> to vector<200x256xf32>
    %slice3A_170 = vector.extract_strided_slice %bitcast_convert_type3A_7 {offsets = [14, 0, 0], sizes = [1, 200, 256], strides = [1, 1, 1]} : vector<16x200x256xf32> to vector<1x200x256xf32>
    %squeeze3A_171 = vector.shape_cast %slice3A_170 : vector<1x200x256xf32> to vector<200x256xf32>
    %mul3A_172 = arith.mulf %squeeze3A_169, %squeeze3A_171 : vector<200x256xf32>
    %add3A_173 = arith.addf %add3A_167, %mul3A_172 : vector<200x256xf32>
    %slice3A_174 = vector.extract_strided_slice %reshape3A_78 {offsets = [15, 0, 0], sizes = [1, 200, 256], strides = [1, 1, 1]} : vector<16x200x256xf32> to vector<1x200x256xf32>
    %squeeze3A_175 = vector.shape_cast %slice3A_174 : vector<1x200x256xf32> to vector<200x256xf32>
    %slice3A_176 = vector.extract_strided_slice %bitcast_convert_type3A_7 {offsets = [15, 0, 0], sizes = [1, 200, 256], strides = [1, 1, 1]} : vector<16x200x256xf32> to vector<1x200x256xf32>
    %squeeze3A_177 = vector.shape_cast %slice3A_176 : vector<1x200x256xf32> to vector<200x256xf32>
    %mul3A_178 = arith.mulf %squeeze3A_175, %squeeze3A_177 : vector<200x256xf32>
    %add3A_179 = arith.addf %add3A_173, %mul3A_178 : vector<200x256xf32>
    %mul3A_180 = arith.mulf %add3A_179, %dot_general3A_85 : vector<200x256xf32>
    %get3A_181 = arith.constant 0 : index
    %get3A_182 = arith.constant 0 : index
    %get3A_183 = vector.load %arg5[%get3A_181, %get3A_182] : memref<256x256xf32, #tpu.memory_space<vmem>>, vector<256x256xf32>
    %dot_general3A_184 = arith.constant dense<0.000000e+00> : vector<200x256xf32>
    %dot_general3A_185 = tpu.matmul %mul3A_180, %get3A_183, %dot_general3A_184 {dimension_numbers = #tpu.dot_dimension_numbers<[1], [0], [0], [1], [0, 0, 1, 1], [], []>, transpose_lhs_hint = false} : vector<200x256xf32>, vector<256x256xf32>, vector<200x256xf32> -> vector<200x256xf32>
    %get3A_186 = arith.constant 0 : index
    %get3A_187 = arith.constant 0 : index
    %get3A_188 = vector.load %arg6[%get3A_186, %get3A_187] : memref<1x256xf32, #tpu.memory_space<vmem>>, vector<1x256xf32>
    %add3A_189 = vector.broadcast %get3A_188 : vector<1x256xf32> to vector<200x256xf32>
    %add3A_190 = arith.addf %dot_general3A_185, %add3A_189 : vector<200x256xf32>
    %get3A_191 = arith.constant 0 : index
    %get3A_192 = arith.constant 0 : index
    %get3A_193 = vector.load %arg2[%get3A_191, %get3A_192] : memref<200x256xf32, #tpu.memory_space<vmem>>, vector<200x256xf32>
    %add3A_194 = arith.addf %add3A_190, %get3A_193 : vector<200x256xf32>
    %reduce_sum3A_195 = arith.constant dense<0.000000e+00> : vector<200xf32>
    %reduce_sum3A_196 = vector.multi_reduction <add>, %add3A_194, %reduce_sum3A_195 [1] : vector<200x256xf32> to vector<200xf32>
    %broadcast_in_dim3A_197 = vector.shape_cast %reduce_sum3A_196 : vector<200xf32> to vector<200x1xf32>
    %div3A_198 = arith.constant 2.560000e+02 : f32
    %div3A_199 = vector.broadcast %div3A_198 : f32 to vector<200x1xf32>
    %div3A_200 = arith.divf %broadcast_in_dim3A_197, %div3A_199 : vector<200x1xf32>
    %sub3A_201 = vector.broadcast %div3A_200 : vector<200x1xf32> to vector<200x256xf32>
    %sub3A_202 = arith.subf %add3A_194, %sub3A_201 : vector<200x256xf32>
    %integer_pow3A = arith.mulf %sub3A_202, %sub3A_202 : vector<200x256xf32>
    %reduce_sum3A_203 = arith.constant dense<0.000000e+00> : vector<200xf32>
    %reduce_sum3A_204 = vector.multi_reduction <add>, %integer_pow3A, %reduce_sum3A_203 [1] : vector<200x256xf32> to vector<200xf32>
    %broadcast_in_dim3A_205 = vector.shape_cast %reduce_sum3A_204 : vector<200xf32> to vector<200x1xf32>
    %div3A_206 = arith.constant 2.560000e+02 : f32
    %div3A_207 = vector.broadcast %div3A_206 : f32 to vector<200x1xf32>
    %div3A_208 = arith.divf %broadcast_in_dim3A_205, %div3A_207 : vector<200x1xf32>
    %sub3A_209 = vector.broadcast %div3A_200 : vector<200x1xf32> to vector<200x256xf32>
    %sub3A_210 = arith.subf %add3A_194, %sub3A_209 : vector<200x256xf32>
    %add3A_211 = arith.constant 9.99999974E-6 : f32
    %add3A_212 = vector.broadcast %add3A_211 : f32 to vector<200x1xf32>
    %add3A_213 = arith.addf %div3A_208, %add3A_212 : vector<200x1xf32>
    %rsqrt3A = math.rsqrt %add3A_213 : vector<200x1xf32>
    %mul3A_214 = vector.broadcast %rsqrt3A : vector<200x1xf32> to vector<200x256xf32>
    %mul3A_215 = arith.mulf %sub3A_210, %mul3A_214 : vector<200x256xf32>
    %get3A_216 = arith.constant 0 : index
    %get3A_217 = arith.constant 0 : index
    %get3A_218 = vector.load %arg14[%get3A_216, %get3A_217] : memref<1x256xf32, #tpu.memory_space<vmem>>, vector<1x256xf32>
    %mul3A_219 = vector.broadcast %get3A_218 : vector<1x256xf32> to vector<200x256xf32>
    %mul3A_220 = arith.mulf %mul3A_215, %mul3A_219 : vector<200x256xf32>
    %get3A_221 = arith.constant 0 : index
    %get3A_222 = arith.constant 0 : index
    %get3A_223 = vector.load %arg15[%get3A_221, %get3A_222] : memref<1x256xf32, #tpu.memory_space<vmem>>, vector<1x256xf32>
    %add3A_224 = vector.broadcast %get3A_223 : vector<1x256xf32> to vector<200x256xf32>
    %add3A_225 = arith.addf %mul3A_220, %add3A_224 : vector<200x256xf32>
    %swap3A = arith.constant 0 : index
    %swap3A_226 = arith.constant 0 : index
    %swap3A_227 = vector.load %arg16[%swap3A, %swap3A_226] : memref<200x256xf32, #tpu.memory_space<vmem>>, vector<200x256xf32>
    tpu.vector_store %arg16[%swap3A, %swap3A_226], %add3A_225 {strides = array<i32>} : memref<200x256xf32, #tpu.memory_space<vmem>>, vector<200x256xf32>,
    return
  }
  func.func @transform_0(%arg0: i32) -> (i32, i32) {
    %add3A = arith.constant 30 : i32
    %add3A_0 = arith.addi %add3A, %arg0 : i32
    %c0_i32 = arith.constant 0 : i32
    %c0_i32_1 = arith.constant 0 : i32
    return %add3A_0, %c0_i32 : i32, i32
  }
  func.func @transform_1(%arg0: i32) -> (i32, i32) {
    %add3A = arith.constant 30 : i32
    %add3A_0 = arith.addi %add3A, %arg0 : i32
    %c0_i32 = arith.constant 0 : i32
    %c0_i32_1 = arith.constant 0 : i32
    return %add3A_0, %c0_i32 : i32, i32
  }
  func.func @transform_2(%arg0: i32) -> (i32, i32) {
    %add3A = arith.constant 30 : i32
    %add3A_0 = arith.addi %add3A, %arg0 : i32
    %c0_i32 = arith.constant 0 : i32
    %c0_i32_1 = arith.constant 0 : i32
    return %add3A_0, %c0_i32 : i32, i32
  }
  func.func @transform_3(%arg0: i32) -> (i32, i32, i32) {
    %c0_i32 = arith.constant 0 : i32
    %c0_i32_0 = arith.constant 0 : i32
    %c0_i32_1 = arith.constant 0 : i32
    return %c0_i32, %arg0, %c0_i32_0 : i32, i32, i32
  }
  func.func @transform_4(%arg0: i32) -> (i32, i32) {
    %c0_i32 = arith.constant 0 : i32
    %c0_i32_0 = arith.constant 0 : i32
    %c0_i32_1 = arith.constant 0 : i32
    return %c0_i32, %c0_i32_0 : i32, i32
  }
  func.func @transform_5(%arg0: i32) -> (i32, i32) {
    %c0_i32 = arith.constant 0 : i32
    %c0_i32_0 = arith.constant 0 : i32
    %c0_i32_1 = arith.constant 0 : i32
    return %c0_i32, %c0_i32_0 : i32, i32
  }
  func.func @transform_6(%arg0: i32) -> (i32, i32) {
    %c0_i32 = arith.constant 0 : i32
    %c0_i32_0 = arith.constant 0 : i32
    %c0_i32_1 = arith.constant 0 : i32
    return %c0_i32, %c0_i32_0 : i32, i32
  }
  func.func @transform_7(%arg0: i32) -> (i32, i32) {
    %c0_i32 = arith.constant 0 : i32
    %c0_i32_0 = arith.constant 0 : i32
    %c0_i32_1 = arith.constant 0 : i32
    return %c0_i32, %c0_i32_0 : i32, i32
  }
  func.func @transform_8(%arg0: i32) -> (i32, i32) {
    %c0_i32 = arith.constant 0 : i32
    %c0_i32_0 = arith.constant 0 : i32
    %c0_i32_1 = arith.constant 0 : i32
    return %c0_i32, %c0_i32_0 : i32, i32
  }
  func.func @transform_9(%arg0: i32) -> (i32, i32) {
    %c0_i32 = arith.constant 0 : i32
    %c0_i32_0 = arith.constant 0 : i32
    %c0_i32_1 = arith.constant 0 : i32
    return %c0_i32, %c0_i32_0 : i32, i32
  }
  func.func @transform_10(%arg0: i32) -> (i32, i32) {
    %c0_i32 = arith.constant 0 : i32
    %c0_i32_0 = arith.constant 0 : i32
    %c0_i32_1 = arith.constant 0 : i32
    return %c0_i32, %c0_i32_0 : i32, i32
  }
  func.func @transform_11(%arg0: i32) -> (i32, i32) {
    %c0_i32 = arith.constant 0 : i32
    %c0_i32_0 = arith.constant 0 : i32
    %c0_i32_1 = arith.constant 0 : i32
    return %c0_i32, %c0_i32_0 : i32, i32
  }
  func.func @transform_12(%arg0: i32) -> (i32, i32) {
    %c0_i32 = arith.constant 0 : i32
    %c0_i32_0 = arith.constant 0 : i32
    %c0_i32_1 = arith.constant 0 : i32
    return %c0_i32, %c0_i32_0 : i32, i32
  }
  func.func @transform_13(%arg0: i32) -> (i32, i32) {
    %c0_i32 = arith.constant 0 : i32
    %c0_i32_0 = arith.constant 0 : i32
    %c0_i32_1 = arith.constant 0 : i32
    return %c0_i32, %c0_i32_0 : i32, i32
  }
  func.func @transform_14(%arg0: i32) -> (i32, i32) {
    %c0_i32 = arith.constant 0 : i32
    %c0_i32_0 = arith.constant 0 : i32
    %c0_i32_1 = arith.constant 0 : i32
    return %c0_i32, %c0_i32_0 : i32, i32
  }
  func.func @transform_15(%arg0: i32) -> (i32, i32) {
    %c0_i32 = arith.constant 0 : i32
    %c0_i32_0 = arith.constant 0 : i32
    return %arg0, %c0_i32 : i32, i32
  }
}

module attributes {stable_mosaic.version = 14 : i64} {
  func.func @_attn_body(%arg0: i32, %arg1: memref<200x256xf32, #tpu.memory_space<vmem>>, %arg2: memref<200x256xf32, #tpu.memory_space<vmem>>, %arg3: memref<200x128xf32, #tpu.memory_space<vmem>>, %arg4: memref<16x200x384xi32, #tpu.memory_space<vmem>>, %arg5: memref<256x256xf32, #tpu.memory_space<vmem>>, %arg6: memref<1x256xf32, #tpu.memory_space<vmem>>, %arg7: memref<128x64xf32, #tpu.memory_space<vmem>>, %arg8: memref<1x64xf32, #tpu.memory_space<vmem>>, %arg9: memref<64x8xf32, #tpu.memory_space<vmem>>, %arg10: memref<1x8xf32, #tpu.memory_space<vmem>>, %arg11: memref<256x8xbf16, #tpu.memory_space<vmem>>, %arg12: memref<8x256xbf16, #tpu.memory_space<vmem>>, %arg13: memref<8x256xf32, #tpu.memory_space<vmem>>, %arg14: memref<1x256xf32, #tpu.memory_space<vmem>>, %arg15: memref<1x256xf32, #tpu.memory_space<vmem>>, %arg16: memref<200x256xf32, #tpu.memory_space<vmem>>) attributes {dimension_semantics = [#tpu.dimension_semantics<arbitrary>], iteration_bounds = array<i64: 30>, scalar_prefetch = 0 : i64, scratch_operands = 0 : i64, tpu.core_type = #tpu.core_type<tc>, window_params = [{transform_indices = @transform_0, window_bounds = array<i64: 200, 256>}, {transform_indices = @transform_1, window_bounds = array<i64: 200, 256>}, {transform_indices = @transform_2, window_bounds = array<i64: 200, 128>}, {transform_indices = @transform_3, window_bounds = array<i64: 16, 200, 384>}, {pipeline_mode = #tpu.pipeline_mode<synchronous>, transform_indices = @transform_4, window_bounds = array<i64: 256, 256>}, {pipeline_mode = #tpu.pipeline_mode<synchronous>, transform_indices = @transform_5, window_bounds = array<i64: 1, 256>}, {pipeline_mode = #tpu.pipeline_mode<synchronous>, transform_indices = @transform_6, window_bounds = array<i64: 128, 64>}, {pipeline_mode = #tpu.pipeline_mode<synchronous>, transform_indices = @transform_7, window_bounds = array<i64: 1, 64>}, {pipeline_mode = #tpu.pipeline_mode<synchronous>, transform_indices = @transform_8, window_bounds = array<i64: 64, 8>}, {pipeline_mode = #tpu.pipeline_mode<synchronous>, transform_indices = @transform_9, window_bounds = array<i64: 1, 8>}, {pipeline_mode = #tpu.pipeline_mode<synchronous>, transform_indices = @transform_10, window_bounds = array<i64: 256, 8>}, {pipeline_mode = #tpu.pipeline_mode<synchronous>, transform_indices = @transform_11, window_bounds = array<i64: 8, 256>}, {pipeline_mode = #tpu.pipeline_mode<synchronous>, transform_indices = @transform_12, window_bounds = array<i64: 8, 256>}, {pipeline_mode = #tpu.pipeline_mode<synchronous>, transform_indices = @transform_13, window_bounds = array<i64: 1, 256>}, {pipeline_mode = #tpu.pipeline_mode<synchronous>, transform_indices = @transform_14, window_bounds = array<i64: 1, 256>}, {transform_indices = @transform_15, window_bounds = array<i64: 200, 256>}]} {
    %get3A = arith.constant 0 : index
    %get3A_0 = arith.constant 0 : index
    %get3A_1 = arith.constant 0 : index
    %get3A_2 = vector.load %arg4[%get3A, %get3A_0, %get3A_1] : memref<16x200x384xi32, #tpu.memory_space<vmem>>, vector<16x200x384xi32>
    %slice3A = vector.extract_strided_slice %get3A_2 {offsets = [0, 0, 0], sizes = [16, 200, 256], strides = [1, 1, 1]} : vector<16x200x384xi32> to vector<16x200x256xi32>
    %shift_left3A = arith.constant 16 : i32
    %shift_left3A_3 = vector.broadcast %shift_left3A : i32 to vector<16x200x256xi32>
    %shift_left3A_4 = arith.shli %slice3A, %shift_left3A_3 : vector<16x200x256xi32>
    %bitcast_convert_type3A = tpu.bitcast %shift_left3A_4 : vector<16x200x256xi32> -> vector<16x200x256xf32>
    %and3A = arith.constant -65536 : i32
    %and3A_5 = vector.broadcast %and3A : i32 to vector<16x200x256xi32>
    %and3A_6 = arith.andi %slice3A, %and3A_5 : vector<16x200x256xi32>
    %bitcast_convert_type3A_7 = tpu.bitcast %and3A_6 : vector<16x200x256xi32> -> vector<16x200x256xf32>
    %slice3A_8 = vector.extract_strided_slice %get3A_2 {offsets = [0, 0, 256], sizes = [16, 200, 128], strides = [1, 1, 1]} : vector<16x200x384xi32> to vector<16x200x128xi32>
    %bitcast_convert_type3A_9 = tpu.bitcast %slice3A_8 : vector<16x200x128xi32> -> vector<16x200x128xf32>
    %get3A_10 = arith.constant 0 : index
    %get3A_11 = arith.constant 0 : index
    %get3A_12 = vector.load %arg1[%get3A_10, %get3A_11] : memref<200x256xf32, #tpu.memory_space<vmem>>, vector<200x256xf32>
    %broadcast_in_dim3A = vector.shape_cast %get3A_12 : vector<200x256xf32> to vector<1x200x256xf32>
    %mul3A = vector.broadcast %broadcast_in_dim3A : vector<1x200x256xf32> to vector<16x200x256xf32>
    %mul3A_13 = arith.mulf %bitcast_convert_type3A, %mul3A : vector<16x200x256xf32>
    %reshape3A = vector.shape_cast %mul3A_13 : vector<16x200x256xf32> to vector<3200x256xf32>
    %convert_element_type3A = arith.truncf %reshape3A : vector<3200x256xf32> to vector<3200x256xbf16>
    %get3A_14 = arith.constant 0 : index
    %get3A_15 = arith.constant 0 : index
    %get3A_16 = vector.load %arg11[%get3A_14, %get3A_15] : memref<256x8xbf16, #tpu.memory_space<vmem>>, vector<256x8xbf16>
    %dot_general3A = arith.constant dense<0.000000e+00> : vector<3200x8xf32>
    %dot_general3A_17 = tpu.matmul %convert_element_type3A, %get3A_16, %dot_general3A {dimension_numbers = #tpu.dot_dimension_numbers<[1], [0], [0], [1], [0, 0, 1, 1], [], []>, transpose_lhs_hint = false} : vector<3200x256xbf16>, vector<256x8xbf16>, vector<3200x8xf32> -> vector<3200x8xf32>
    %mul3A_18 = arith.constant 0.176776692 : f32
    %mul3A_19 = vector.broadcast %mul3A_18 : f32 to vector<3200x8xf32>
    %mul3A_20 = arith.mulf %dot_general3A_17, %mul3A_19 : vector<3200x8xf32>
    %get3A_21 = arith.constant 0 : index
    %get3A_22 = arith.constant 0 : index
    %get3A_23 = vector.load %arg3[%get3A_21, %get3A_22] : memref<200x128xf32, #tpu.memory_space<vmem>>, vector<200x128xf32>
    %broadcast_in_dim3A_24 = vector.shape_cast %get3A_23 : vector<200x128xf32> to vector<1x200x128xf32>
    %sub3A = vector.broadcast %broadcast_in_dim3A_24 : vector<1x200x128xf32> to vector<16x200x128xf32>
    %sub3A_25 = arith.subf %bitcast_convert_type3A_9, %sub3A : vector<16x200x128xf32>
    %reshape3A_26 = vector.shape_cast %sub3A_25 : vector<16x200x128xf32> to vector<3200x128xf32>
    %get3A_27 = arith.constant 0 : index
    %get3A_28 = arith.constant 0 : index
    %get3A_29 = vector.load %arg7[%get3A_27, %get3A_28] : memref<128x64xf32, #tpu.memory_space<vmem>>, vector<128x64xf32>
    %dot_general3A_30 = arith.constant dense<0.000000e+00> : vector<3200x64xf32>
    %dot_general3A_31 = tpu.matmul %reshape3A_26, %get3A_29, %dot_general3A_30 {dimension_numbers = #tpu.dot_dimension_numbers<[1], [0], [0], [1], [0, 0, 1, 1], [], []>, transpose_lhs_hint = false} : vector<3200x128xf32>, vector<128x64xf32>, vector<3200x64xf32> -> vector<3200x64xf32>
    %get3A_32 = arith.constant 0 : index
    %get3A_33 = arith.constant 0 : index
    %get3A_34 = vector.load %arg8[%get3A_32, %get3A_33] : memref<1x64xf32, #tpu.memory_space<vmem>>, vector<1x64xf32>
    %add3A = vector.broadcast %get3A_34 : vector<1x64xf32> to vector<3200x64xf32>
    %add3A_35 = arith.addf %dot_general3A_31, %add3A : vector<3200x64xf32>
    %mul3A_36 = arith.mulf %add3A_35, %add3A_35 : vector<3200x64xf32>
    %mul3A_37 = arith.constant 4.471500e-02 : f32
    %mul3A_38 = vector.broadcast %mul3A_37 : f32 to vector<3200x64xf32>
    %mul3A_39 = arith.mulf %mul3A_38, %mul3A_36 : vector<3200x64xf32>
    %add3A_40 = arith.constant 1.000000e+00 : f32
    %add3A_41 = vector.broadcast %add3A_40 : f32 to vector<3200x64xf32>
    %add3A_42 = arith.addf %add3A_41, %mul3A_39 : vector<3200x64xf32>
    %mul3A_43 = arith.mulf %add3A_35, %add3A_42 : vector<3200x64xf32>
    %mul3A_44 = arith.constant 5.000000e-01 : f32
    %mul3A_45 = vector.broadcast %mul3A_44 : f32 to vector<3200x64xf32>
    %mul3A_46 = arith.mulf %mul3A_45, %add3A_35 : vector<3200x64xf32>
    %mul3A_47 = arith.constant 0.797884583 : f32
    %mul3A_48 = vector.broadcast %mul3A_47 : f32 to vector<3200x64xf32>
    %mul3A_49 = arith.mulf %mul3A_48, %mul3A_43 : vector<3200x64xf32>
    %tanh3A = math.tanh %mul3A_49 : vector<3200x64xf32>
    %add3A_50 = arith.constant 1.000000e+00 : f32
    %add3A_51 = vector.broadcast %add3A_50 : f32 to vector<3200x64xf32>
    %add3A_52 = arith.addf %add3A_51, %tanh3A : vector<3200x64xf32>
    %mul3A_53 = arith.mulf %mul3A_46, %add3A_52 : vector<3200x64xf32>
    %get3A_54 = arith.constant 0 : index
    %get3A_55 = arith.constant 0 : index
    %get3A_56 = vector.load %arg9[%get3A_54, %get3A_55] : memref<64x8xf32, #tpu.memory_space<vmem>>, vector<64x8xf32>
    %dot_general3A_57 = arith.constant dense<0.000000e+00> : vector<3200x8xf32>
    %dot_general3A_58 = tpu.matmul %mul3A_53, %get3A_56, %dot_general3A_57 {dimension_numbers = #tpu.dot_dimension_numbers<[1], [0], [0], [1], [0, 0, 1, 1], [], []>, transpose_lhs_hint = false} : vector<3200x64xf32>, vector<64x8xf32>, vector<3200x8xf32> -> vector<3200x8xf32>
    %add3A_59 = arith.addf %mul3A_20, %dot_general3A_58 : vector<3200x8xf32>
    %get3A_60 = arith.constant 0 : index
    %get3A_61 = arith.constant 0 : index
    %get3A_62 = vector.load %arg10[%get3A_60, %get3A_61] : memref<1x8xf32, #tpu.memory_space<vmem>>, vector<1x8xf32>
    %add3A_63 = vector.broadcast %get3A_62 : vector<1x8xf32> to vector<3200x8xf32>
    %add3A_64 = arith.addf %add3A_59, %add3A_63 : vector<3200x8xf32>
    %reshape3A_65 = vector.shape_cast %add3A_64 : vector<3200x8xf32> to vector<16x200x8xf32>
    %reduce_max3A = arith.constant dense<0xFF800000> : vector<200x8xf32>
    %reduce_max3A_66 = vector.multi_reduction <maximumf>, %reshape3A_65, %reduce_max3A [0] : vector<16x200x8xf32> to vector<200x8xf32>
    %broadcast_in_dim3A_67 = vector.shape_cast %reduce_max3A_66 : vector<200x8xf32> to vector<1x200x8xf32>
    %sub3A_68 = vector.broadcast %broadcast_in_dim3A_67 : vector<1x200x8xf32> to vector<16x200x8xf32>
    %sub3A_69 = arith.subf %reshape3A_65, %sub3A_68 : vector<16x200x8xf32>
    %exp3A = math.exp %sub3A_69 : vector<16x200x8xf32>
    %reduce_sum3A = arith.constant dense<0.000000e+00> : vector<200x8xf32>
    %reduce_sum3A_70 = vector.multi_reduction <add>, %exp3A, %reduce_sum3A [0] : vector<16x200x8xf32> to vector<200x8xf32>
    %reshape3A_71 = vector.shape_cast %exp3A : vector<16x200x8xf32> to vector<3200x8xf32>
    %convert_element_type3A_72 = arith.truncf %reshape3A_71 : vector<3200x8xf32> to vector<3200x8xbf16>
    %get3A_73 = arith.constant 0 : index
    %get3A_74 = arith.constant 0 : index
    %get3A_75 = vector.load %arg12[%get3A_73, %get3A_74] : memref<8x256xbf16, #tpu.memory_space<vmem>>, vector<8x256xbf16>
    %dot_general3A_76 = arith.constant dense<0.000000e+00> : vector<3200x256xf32>
    %dot_general3A_77 = tpu.matmul %convert_element_type3A_72, %get3A_75, %dot_general3A_76 {dimension_numbers = #tpu.dot_dimension_numbers<[1], [0], [0], [1], [0, 0, 1, 1], [], []>, transpose_lhs_hint = false} : vector<3200x8xbf16>, vector<8x256xbf16>, vector<3200x256xf32> -> vector<3200x256xf32>
    %reshape3A_78 = vector.shape_cast %dot_general3A_77 : vector<3200x256xf32> to vector<16x200x256xf32>
    %div3A = arith.constant 1.000000e+00 : f32
    %div3A_79 = vector.broadcast %div3A : f32 to vector<200x8xf32>
    %div3A_80 = arith.divf %div3A_79, %reduce_sum3A_70 : vector<200x8xf32>
    %get3A_81 = arith.constant 0 : index
    %get3A_82 = arith.constant 0 : index
    %get3A_83 = vector.load %arg13[%get3A_81, %get3A_82] : memref<8x256xf32, #tpu.memory_space<vmem>>, vector<8x256xf32>
    %dot_general3A_84 = arith.constant dense<0.000000e+00> : vector<200x256xf32>
    %dot_general3A_85 = tpu.matmul %div3A_80, %get3A_83, %dot_general3A_84 {dimension_numbers = #tpu.dot_dimension_numbers<[1], [0], [0], [1], [0, 0, 1, 1], [], []>, transpose_lhs_hint = false} : vector<200x8xf32>, vector<8x256xf32>, vector<200x256xf32> -> vector<200x256xf32>
    %slice3A_86 = vector.extract_strided_slice %reshape3A_78 {offsets = [0, 0, 0], sizes = [1, 200, 256], strides = [1, 1, 1]} : vector<16x200x256xf32> to vector<1x200x256xf32>
    %squeeze3A = vector.shape_cast %slice3A_86 : vector<1x200x256xf32> to vector<200x256xf32>
    %slice3A_87 = vector.extract_strided_slice %bitcast_convert_type3A_7 {offsets = [0, 0, 0], sizes = [1, 200, 256], strides = [1, 1, 1]} : vector<16x200x256xf32> to vector<1x200x256xf32>
    %squeeze3A_88 = vector.shape_cast %slice3A_87 : vector<1x200x256xf32> to vector<200x256xf32>
    %mul3A_89 = arith.mulf %squeeze3A, %squeeze3A_88 : vector<200x256xf32>
    %slice3A_90 = vector.extract_strided_slice %reshape3A_78 {offsets = [1, 0, 0], sizes = [1, 200, 256], strides = [1, 1, 1]} : vector<16x200x256xf32> to vector<1x200x256xf32>
    %squeeze3A_91 = vector.shape_cast %slice3A_90 : vector<1x200x256xf32> to vector<200x256xf32>
    %slice3A_92 = vector.extract_strided_slice %bitcast_convert_type3A_7 {offsets = [1, 0, 0], sizes = [1, 200, 256], strides = [1, 1, 1]} : vector<16x200x256xf32> to vector<1x200x256xf32>
    %squeeze3A_93 = vector.shape_cast %slice3A_92 : vector<1x200x256xf32> to vector<200x256xf32>
    %mul3A_94 = arith.mulf %squeeze3A_91, %squeeze3A_93 : vector<200x256xf32>
    %add3A_95 = arith.addf %mul3A_89, %mul3A_94 : vector<200x256xf32>
    %slice3A_96 = vector.extract_strided_slice %reshape3A_78 {offsets = [2, 0, 0], sizes = [1, 200, 256], strides = [1, 1, 1]} : vector<16x200x256xf32> to vector<1x200x256xf32>
    %squeeze3A_97 = vector.shape_cast %slice3A_96 : vector<1x200x256xf32> to vector<200x256xf32>
    %slice3A_98 = vector.extract_strided_slice %bitcast_convert_type3A_7 {offsets = [2, 0, 0], sizes = [1, 200, 256], strides = [1, 1, 1]} : vector<16x200x256xf32> to vector<1x200x256xf32>
    %squeeze3A_99 = vector.shape_cast %slice3A_98 : vector<1x200x256xf32> to vector<200x256xf32>
    %mul3A_100 = arith.mulf %squeeze3A_97, %squeeze3A_99 : vector<200x256xf32>
    %add3A_101 = arith.addf %add3A_95, %mul3A_100 : vector<200x256xf32>
    %slice3A_102 = vector.extract_strided_slice %reshape3A_78 {offsets = [3, 0, 0], sizes = [1, 200, 256], strides = [1, 1, 1]} : vector<16x200x256xf32> to vector<1x200x256xf32>
    %squeeze3A_103 = vector.shape_cast %slice3A_102 : vector<1x200x256xf32> to vector<200x256xf32>
    %slice3A_104 = vector.extract_strided_slice %bitcast_convert_type3A_7 {offsets = [3, 0, 0], sizes = [1, 200, 256], strides = [1, 1, 1]} : vector<16x200x256xf32> to vector<1x200x256xf32>
    %squeeze3A_105 = vector.shape_cast %slice3A_104 : vector<1x200x256xf32> to vector<200x256xf32>
    %mul3A_106 = arith.mulf %squeeze3A_103, %squeeze3A_105 : vector<200x256xf32>
    %add3A_107 = arith.addf %add3A_101, %mul3A_106 : vector<200x256xf32>
    %slice3A_108 = vector.extract_strided_slice %reshape3A_78 {offsets = [4, 0, 0], sizes = [1, 200, 256], strides = [1, 1, 1]} : vector<16x200x256xf32> to vector<1x200x256xf32>
    %squeeze3A_109 = vector.shape_cast %slice3A_108 : vector<1x200x256xf32> to vector<200x256xf32>
    %slice3A_110 = vector.extract_strided_slice %bitcast_convert_type3A_7 {offsets = [4, 0, 0], sizes = [1, 200, 256], strides = [1, 1, 1]} : vector<16x200x256xf32> to vector<1x200x256xf32>
    %squeeze3A_111 = vector.shape_cast %slice3A_110 : vector<1x200x256xf32> to vector<200x256xf32>
    %mul3A_112 = arith.mulf %squeeze3A_109, %squeeze3A_111 : vector<200x256xf32>
    %add3A_113 = arith.addf %add3A_107, %mul3A_112 : vector<200x256xf32>
    %slice3A_114 = vector.extract_strided_slice %reshape3A_78 {offsets = [5, 0, 0], sizes = [1, 200, 256], strides = [1, 1, 1]} : vector<16x200x256xf32> to vector<1x200x256xf32>
    %squeeze3A_115 = vector.shape_cast %slice3A_114 : vector<1x200x256xf32> to vector<200x256xf32>
    %slice3A_116 = vector.extract_strided_slice %bitcast_convert_type3A_7 {offsets = [5, 0, 0], sizes = [1, 200, 256], strides = [1, 1, 1]} : vector<16x200x256xf32> to vector<1x200x256xf32>
    %squeeze3A_117 = vector.shape_cast %slice3A_116 : vector<1x200x256xf32> to vector<200x256xf32>
    %mul3A_118 = arith.mulf %squeeze3A_115, %squeeze3A_117 : vector<200x256xf32>
    %add3A_119 = arith.addf %add3A_113, %mul3A_118 : vector<200x256xf32>
    %slice3A_120 = vector.extract_strided_slice %reshape3A_78 {offsets = [6, 0, 0], sizes = [1, 200, 256], strides = [1, 1, 1]} : vector<16x200x256xf32> to vector<1x200x256xf32>
    %squeeze3A_121 = vector.shape_cast %slice3A_120 : vector<1x200x256xf32> to vector<200x256xf32>
    %slice3A_122 = vector.extract_strided_slice %bitcast_convert_type3A_7 {offsets = [6, 0, 0], sizes = [1, 200, 256], strides = [1, 1, 1]} : vector<16x200x256xf32> to vector<1x200x256xf32>
    %squeeze3A_123 = vector.shape_cast %slice3A_122 : vector<1x200x256xf32> to vector<200x256xf32>
    %mul3A_124 = arith.mulf %squeeze3A_121, %squeeze3A_123 : vector<200x256xf32>
    %add3A_125 = arith.addf %add3A_119, %mul3A_124 : vector<200x256xf32>
    %slice3A_126 = vector.extract_strided_slice %reshape3A_78 {offsets = [7, 0, 0], sizes = [1, 200, 256], strides = [1, 1, 1]} : vector<16x200x256xf32> to vector<1x200x256xf32>
    %squeeze3A_127 = vector.shape_cast %slice3A_126 : vector<1x200x256xf32> to vector<200x256xf32>
    %slice3A_128 = vector.extract_strided_slice %bitcast_convert_type3A_7 {offsets = [7, 0, 0], sizes = [1, 200, 256], strides = [1, 1, 1]} : vector<16x200x256xf32> to vector<1x200x256xf32>
    %squeeze3A_129 = vector.shape_cast %slice3A_128 : vector<1x200x256xf32> to vector<200x256xf32>
    %mul3A_130 = arith.mulf %squeeze3A_127, %squeeze3A_129 : vector<200x256xf32>
    %add3A_131 = arith.addf %add3A_125, %mul3A_130 : vector<200x256xf32>
    %slice3A_132 = vector.extract_strided_slice %reshape3A_78 {offsets = [8, 0, 0], sizes = [1, 200, 256], strides = [1, 1, 1]} : vector<16x200x256xf32> to vector<1x200x256xf32>
    %squeeze3A_133 = vector.shape_cast %slice3A_132 : vector<1x200x256xf32> to vector<200x256xf32>
    %slice3A_134 = vector.extract_strided_slice %bitcast_convert_type3A_7 {offsets = [8, 0, 0], sizes = [1, 200, 256], strides = [1, 1, 1]} : vector<16x200x256xf32> to vector<1x200x256xf32>
    %squeeze3A_135 = vector.shape_cast %slice3A_134 : vector<1x200x256xf32> to vector<200x256xf32>
    %mul3A_136 = arith.mulf %squeeze3A_133, %squeeze3A_135 : vector<200x256xf32>
    %add3A_137 = arith.addf %add3A_131, %mul3A_136 : vector<200x256xf32>
    %slice3A_138 = vector.extract_strided_slice %reshape3A_78 {offsets = [9, 0, 0], sizes = [1, 200, 256], strides = [1, 1, 1]} : vector<16x200x256xf32> to vector<1x200x256xf32>
    %squeeze3A_139 = vector.shape_cast %slice3A_138 : vector<1x200x256xf32> to vector<200x256xf32>
    %slice3A_140 = vector.extract_strided_slice %bitcast_convert_type3A_7 {offsets = [9, 0, 0], sizes = [1, 200, 256], strides = [1, 1, 1]} : vector<16x200x256xf32> to vector<1x200x256xf32>
    %squeeze3A_141 = vector.shape_cast %slice3A_140 : vector<1x200x256xf32> to vector<200x256xf32>
    %mul3A_142 = arith.mulf %squeeze3A_139, %squeeze3A_141 : vector<200x256xf32>
    %add3A_143 = arith.addf %add3A_137, %mul3A_142 : vector<200x256xf32>
    %slice3A_144 = vector.extract_strided_slice %reshape3A_78 {offsets = [10, 0, 0], sizes = [1, 200, 256], strides = [1, 1, 1]} : vector<16x200x256xf32> to vector<1x200x256xf32>
    %squeeze3A_145 = vector.shape_cast %slice3A_144 : vector<1x200x256xf32> to vector<200x256xf32>
    %slice3A_146 = vector.extract_strided_slice %bitcast_convert_type3A_7 {offsets = [10, 0, 0], sizes = [1, 200, 256], strides = [1, 1, 1]} : vector<16x200x256xf32> to vector<1x200x256xf32>
    %squeeze3A_147 = vector.shape_cast %slice3A_146 : vector<1x200x256xf32> to vector<200x256xf32>
    %mul3A_148 = arith.mulf %squeeze3A_145, %squeeze3A_147 : vector<200x256xf32>
    %add3A_149 = arith.addf %add3A_143, %mul3A_148 : vector<200x256xf32>
    %slice3A_150 = vector.extract_strided_slice %reshape3A_78 {offsets = [11, 0, 0], sizes = [1, 200, 256], strides = [1, 1, 1]} : vector<16x200x256xf32> to vector<1x200x256xf32>
    %squeeze3A_151 = vector.shape_cast %slice3A_150 : vector<1x200x256xf32> to vector<200x256xf32>
    %slice3A_152 = vector.extract_strided_slice %bitcast_convert_type3A_7 {offsets = [11, 0, 0], sizes = [1, 200, 256], strides = [1, 1, 1]} : vector<16x200x256xf32> to vector<1x200x256xf32>
    %squeeze3A_153 = vector.shape_cast %slice3A_152 : vector<1x200x256xf32> to vector<200x256xf32>
    %mul3A_154 = arith.mulf %squeeze3A_151, %squeeze3A_153 : vector<200x256xf32>
    %add3A_155 = arith.addf %add3A_149, %mul3A_154 : vector<200x256xf32>
    %slice3A_156 = vector.extract_strided_slice %reshape3A_78 {offsets = [12, 0, 0], sizes = [1, 200, 256], strides = [1, 1, 1]} : vector<16x200x256xf32> to vector<1x200x256xf32>
    %squeeze3A_157 = vector.shape_cast %slice3A_156 : vector<1x200x256xf32> to vector<200x256xf32>
    %slice3A_158 = vector.extract_strided_slice %bitcast_convert_type3A_7 {offsets = [12, 0, 0], sizes = [1, 200, 256], strides = [1, 1, 1]} : vector<16x200x256xf32> to vector<1x200x256xf32>
    %squeeze3A_159 = vector.shape_cast %slice3A_158 : vector<1x200x256xf32> to vector<200x256xf32>
    %mul3A_160 = arith.mulf %squeeze3A_157, %squeeze3A_159 : vector<200x256xf32>
    %add3A_161 = arith.addf %add3A_155, %mul3A_160 : vector<200x256xf32>
    %slice3A_162 = vector.extract_strided_slice %reshape3A_78 {offsets = [13, 0, 0], sizes = [1, 200, 256], strides = [1, 1, 1]} : vector<16x200x256xf32> to vector<1x200x256xf32>
    %squeeze3A_163 = vector.shape_cast %slice3A_162 : vector<1x200x256xf32> to vector<200x256xf32>
    %slice3A_164 = vector.extract_strided_slice %bitcast_convert_type3A_7 {offsets = [13, 0, 0], sizes = [1, 200, 256], strides = [1, 1, 1]} : vector<16x200x256xf32> to vector<1x200x256xf32>
    %squeeze3A_165 = vector.shape_cast %slice3A_164 : vector<1x200x256xf32> to vector<200x256xf32>
    %mul3A_166 = arith.mulf %squeeze3A_163, %squeeze3A_165 : vector<200x256xf32>
    %add3A_167 = arith.addf %add3A_161, %mul3A_166 : vector<200x256xf32>
    %slice3A_168 = vector.extract_strided_slice %reshape3A_78 {offsets = [14, 0, 0], sizes = [1, 200, 256], strides = [1, 1, 1]} : vector<16x200x256xf32> to vector<1x200x256xf32>
    %squeeze3A_169 = vector.shape_cast %slice3A_168 : vector<1x200x256xf32> to vector<200x256xf32>
    %slice3A_170 = vector.extract_strided_slice %bitcast_convert_type3A_7 {offsets = [14, 0, 0], sizes = [1, 200, 256], strides = [1, 1, 1]} : vector<16x200x256xf32> to vector<1x200x256xf32>
    %squeeze3A_171 = vector.shape_cast %slice3A_170 : vector<1x200x256xf32> to vector<200x256xf32>
    %mul3A_172 = arith.mulf %squeeze3A_169, %squeeze3A_171 : vector<200x256xf32>
    %add3A_173 = arith.addf %add3A_167, %mul3A_172 : vector<200x256xf32>
    %slice3A_174 = vector.extract_strided_slice %reshape3A_78 {offsets = [15, 0, 0], sizes = [1, 200, 256], strides = [1, 1, 1]} : vector<16x200x256xf32> to vector<1x200x256xf32>
    %squeeze3A_175 = vector.shape_cast %slice3A_174 : vector<1x200x256xf32> to vector<200x256xf32>
    %slice3A_176 = vector.extract_strided_slice %bitcast_convert_type3A_7 {offsets = [15, 0, 0], sizes = [1, 200, 256], strides = [1, 1, 1]} : vector<16x200x256xf32> to vector<1x200x256xf32>
    %squeeze3A_177 = vector.shape_cast %slice3A_176 : vector<1x200x256xf32> to vector<200x256xf32>
    %mul3A_178 = arith.mulf %squeeze3A_175, %squeeze3A_177 : vector<200x256xf32>
    %add3A_179 = arith.addf %add3A_173, %mul3A_178 : vector<200x256xf32>
    %mul3A_180 = arith.mulf %add3A_179, %dot_general3A_85 : vector<200x256xf32>
    %get3A_181 = arith.constant 0 : index
    %get3A_182 = arith.constant 0 : index
    %get3A_183 = vector.load %arg5[%get3A_181, %get3A_182] : memref<256x256xf32, #tpu.memory_space<vmem>>, vector<256x256xf32>
    %dot_general3A_184 = arith.constant dense<0.000000e+00> : vector<200x256xf32>
    %dot_general3A_185 = tpu.matmul %mul3A_180, %get3A_183, %dot_general3A_184 {dimension_numbers = #tpu.dot_dimension_numbers<[1], [0], [0], [1], [0, 0, 1, 1], [], []>, transpose_lhs_hint = false} : vector<200x256xf32>, vector<256x256xf32>, vector<200x256xf32> -> vector<200x256xf32>
    %get3A_186 = arith.constant 0 : index
    %get3A_187 = arith.constant 0 : index
    %get3A_188 = vector.load %arg6[%get3A_186, %get3A_187] : memref<1x256xf32, #tpu.memory_space<vmem>>, vector<1x256xf32>
    %add3A_189 = vector.broadcast %get3A_188 : vector<1x256xf32> to vector<200x256xf32>
    %add3A_190 = arith.addf %dot_general3A_185, %add3A_189 : vector<200x256xf32>
    %get3A_191 = arith.constant 0 : index
    %get3A_192 = arith.constant 0 : index
    %get3A_193 = vector.load %arg2[%get3A_191, %get3A_192] : memref<200x256xf32, #tpu.memory_space<vmem>>, vector<200x256xf32>
    %add3A_194 = arith.addf %add3A_190, %get3A_193 : vector<200x256xf32>
    %reduce_sum3A_195 = arith.constant dense<0.000000e+00> : vector<200xf32>
    %reduce_sum3A_196 = vector.multi_reduction <add>, %add3A_194, %reduce_sum3A_195 [1] : vector<200x256xf32> to vector<200xf32>
    %broadcast_in_dim3A_197 = vector.shape_cast %reduce_sum3A_196 : vector<200xf32> to vector<200x1xf32>
    %div3A_198 = arith.constant 2.560000e+02 : f32
    %div3A_199 = vector.broadcast %div3A_198 : f32 to vector<200x1xf32>
    %div3A_200 = arith.divf %broadcast_in_dim3A_197, %div3A_199 : vector<200x1xf32>
    %sub3A_201 = vector.broadcast %div3A_200 : vector<200x1xf32> to vector<200x256xf32>
    %sub3A_202 = arith.subf %add3A_194, %sub3A_201 : vector<200x256xf32>
    %integer_pow3A = arith.mulf %sub3A_202, %sub3A_202 : vector<200x256xf32>
    %reduce_sum3A_203 = arith.constant dense<0.000000e+00> : vector<200xf32>
    %reduce_sum3A_204 = vector.multi_reduction <add>, %integer_pow3A, %reduce_sum3A_203 [1] : vector<200x256xf32> to vector<200xf32>
    %broadcast_in_dim3A_205 = vector.shape_cast %reduce_sum3A_204 : vector<200xf32> to vector<200x1xf32>
    %div3A_206 = arith.constant 2.560000e+02 : f32
    %div3A_207 = vector.broadcast %div3A_206 : f32 to vector<200x1xf32>
    %div3A_208 = arith.divf %broadcast_in_dim3A_205, %div3A_207 : vector<200x1xf32>
    %sub3A_209 = vector.broadcast %div3A_200 : vector<200x1xf32> to vector<200x256xf32>
    %sub3A_210 = arith.subf %add3A_194, %sub3A_209 : vector<200x256xf32>
    %add3A_211 = arith.constant 9.99999974E-6 : f32
    %add3A_212 = vector.broadcast %add3A_211 : f32 to vector<200x1xf32>
    %add3A_213 = arith.addf %div3A_208, %add3A_212 : vector<200x1xf32>
    %rsqrt3A = math.rsqrt %add3A_213 : vector<200x1xf32>
    %mul3A_214 = vector.broadcast %rsqrt3A : vector<200x1xf32> to vector<200x256xf32>
    %mul3A_215 = arith.mulf %sub3A_210, %mul3A_214 : vector<200x256xf32>
    %get3A_216 = arith.constant 0 : index
    %get3A_217 = arith.constant 0 : index
    %get3A_218 = vector.load %arg14[%get3A_216, %get3A_217] : memref<1x256xf32, #tpu.memory_space<vmem>>, vector<1x256xf32>
    %mul3A_219 = vector.broadcast %get3A_218 : vector<1x256xf32> to vector<200x256xf32>
    %mul3A_220 = arith.mulf %mul3A_215, %mul3A_219 : vector<200x256xf32>
    %get3A_221 = arith.constant 0 : index
    %get3A_222 = arith.constant 0 : index
    %get3A_223 = vector.load %arg15[%get3A_221, %get3A_222] : memref<1x256xf32, #tpu.memory_space<vmem>>, vector<1x256xf32>
    %add3A_224 = vector.broadcast %get3A_223 : vector<1x256xf32> to vector<200x256xf32>
    %add3A_225 = arith.addf %mul3A_220, %add3A_224 : vector<200x256xf32>
    %swap3A = arith.constant 0 : index
    %swap3A_226 = arith.constant 0 : index
    %swap3A_227 = vector.load %arg16[%swap3A, %swap3A_226] : memref<200x256xf32, #tpu.memory_space<vmem>>, vector<200x256xf32>
    tpu.vector_store %arg16[%swap3A, %swap3A_226], %add3A_225 {strides = array<i32>} : memref<200x256xf32, #tpu.memory_space<vmem>>, vector<200x256xf32>,
    return
  }
  func.func @transform_0(%arg0: i32) -> (i32, i32) {
    %add3A = arith.constant 0 : i32
    %add3A_0 = arith.addi %add3A, %arg0 : i32
    %c0_i32 = arith.constant 0 : i32
    %c0_i32_1 = arith.constant 0 : i32
    return %add3A_0, %c0_i32 : i32, i32
  }
  func.func @transform_1(%arg0: i32) -> (i32, i32) {
    %add3A = arith.constant 0 : i32
    %add3A_0 = arith.addi %add3A, %arg0 : i32
    %c0_i32 = arith.constant 0 : i32
    %c0_i32_1 = arith.constant 0 : i32
    return %add3A_0, %c0_i32 : i32, i32
  }
  func.func @transform_2(%arg0: i32) -> (i32, i32) {
    %add3A = arith.constant 0 : i32
    %add3A_0 = arith.addi %add3A, %arg0 : i32
    %c0_i32 = arith.constant 0 : i32
    %c0_i32_1 = arith.constant 0 : i32
    return %add3A_0, %c0_i32 : i32, i32
  }
  func.func @transform_3(%arg0: i32) -> (i32, i32, i32) {
    %c0_i32 = arith.constant 0 : i32
    %c0_i32_0 = arith.constant 0 : i32
    %c0_i32_1 = arith.constant 0 : i32
    return %c0_i32, %arg0, %c0_i32_0 : i32, i32, i32
  }
  func.func @transform_4(%arg0: i32) -> (i32, i32) {
    %c0_i32 = arith.constant 0 : i32
    %c0_i32_0 = arith.constant 0 : i32
    %c0_i32_1 = arith.constant 0 : i32
    return %c0_i32, %c0_i32_0 : i32, i32
  }
  func.func @transform_5(%arg0: i32) -> (i32, i32) {
    %c0_i32 = arith.constant 0 : i32
    %c0_i32_0 = arith.constant 0 : i32
    %c0_i32_1 = arith.constant 0 : i32
    return %c0_i32, %c0_i32_0 : i32, i32
  }
  func.func @transform_6(%arg0: i32) -> (i32, i32) {
    %c0_i32 = arith.constant 0 : i32
    %c0_i32_0 = arith.constant 0 : i32
    %c0_i32_1 = arith.constant 0 : i32
    return %c0_i32, %c0_i32_0 : i32, i32
  }
  func.func @transform_7(%arg0: i32) -> (i32, i32) {
    %c0_i32 = arith.constant 0 : i32
    %c0_i32_0 = arith.constant 0 : i32
    %c0_i32_1 = arith.constant 0 : i32
    return %c0_i32, %c0_i32_0 : i32, i32
  }
  func.func @transform_8(%arg0: i32) -> (i32, i32) {
    %c0_i32 = arith.constant 0 : i32
    %c0_i32_0 = arith.constant 0 : i32
    %c0_i32_1 = arith.constant 0 : i32
    return %c0_i32, %c0_i32_0 : i32, i32
  }
  func.func @transform_9(%arg0: i32) -> (i32, i32) {
    %c0_i32 = arith.constant 0 : i32
    %c0_i32_0 = arith.constant 0 : i32
    %c0_i32_1 = arith.constant 0 : i32
    return %c0_i32, %c0_i32_0 : i32, i32
  }
  func.func @transform_10(%arg0: i32) -> (i32, i32) {
    %c0_i32 = arith.constant 0 : i32
    %c0_i32_0 = arith.constant 0 : i32
    %c0_i32_1 = arith.constant 0 : i32
    return %c0_i32, %c0_i32_0 : i32, i32
  }
  func.func @transform_11(%arg0: i32) -> (i32, i32) {
    %c0_i32 = arith.constant 0 : i32
    %c0_i32_0 = arith.constant 0 : i32
    %c0_i32_1 = arith.constant 0 : i32
    return %c0_i32, %c0_i32_0 : i32, i32
  }
  func.func @transform_12(%arg0: i32) -> (i32, i32) {
    %c0_i32 = arith.constant 0 : i32
    %c0_i32_0 = arith.constant 0 : i32
    %c0_i32_1 = arith.constant 0 : i32
    return %c0_i32, %c0_i32_0 : i32, i32
  }
  func.func @transform_13(%arg0: i32) -> (i32, i32) {
    %c0_i32 = arith.constant 0 : i32
    %c0_i32_0 = arith.constant 0 : i32
    %c0_i32_1 = arith.constant 0 : i32
    return %c0_i32, %c0_i32_0 : i32, i32
  }
  func.func @transform_14(%arg0: i32) -> (i32, i32) {
    %c0_i32 = arith.constant 0 : i32
    %c0_i32_0 = arith.constant 0 : i32
    %c0_i32_1 = arith.constant 0 : i32
    return %c0_i32, %c0_i32_0 : i32, i32
  }
  func.func @transform_15(%arg0: i32) -> (i32, i32) {
    %c0_i32 = arith.constant 0 : i32
    %c0_i32_0 = arith.constant 0 : i32
    return %arg0, %c0_i32 : i32, i32
  }
}

</mosaic_0001>

<sc_bundles>
// kernel: kernel.10.cloned.1.call-start
scs
__scs_entry_jumppad:
0x0: {  	(pc) =	sbr.rel $0x88, $3  }
0x1: {  	(tag) =	ssettag $0x0;
	lr =	simm.s32 $0x1  }
0x2: {  	[smem:$0x3F90] =	sst lr;
	_ =	strace $0xD0000000  }
0x3: {  	_ = 	snop  }
0x4: {  	_ = 	snop  }
0x5: {  	_ = 	snop  }
0x6: {  	_ = 	snop  }
0x7: {  	_ = 	snop  }
__scs_overlays_trampoline_lowered:
0x8: {  	[smem:$0x3F9F] =	sst s0  }
0x9: {  	[smem:$0x3FA0] =	sst s1  }
0xa: {  	[smem:$0x3FA1] =	sst s2  }
0xb: {  	[smem:$0x3FA2] =	sst s3  }
0xc: {  	[smem:$0x3FA3] =	sst s4  }
0xd: {  	[smem:$0x3FA4] =	sst s5  }
0xe: {  	[smem:$0x3FA5] =	sst s6  }
0xf: {  	[smem:$0x3FA6] =	sst s7  }
0x10: {  	[smem:$0x3FA7] =	sst s8  }
0x11: {  	[smem:$0x3FA8] =	sst s9;
	s0 =	simm.s32 @!p0 $0x0  }
0x12: {  	s1 =	sld [smem:$0x3F8E];
	s0 =	simm.s32 @p0 $0x1  }
0x13: {  	[smem:$0x3FA9] =	sst s0;
	s0 =	simm.s32 @!p1 $0x0  }
0x14: {  	s2 =	sld [smem:$0x3F8D];
	s0 =	simm.s32 @p1 $0x1  }
0x15: {  	[smem:$0x3FAA] =	sst s0;
	s0 =	simm.s32 @!p2 $0x0  }
0x16: {  	s3 =	sld [smem:$0x3FDB];
	s0 =	simm.s32 @p2 $0x1  }
0x17: {  	s4 =	simm.s32 $0x1BF5;
	[smem:$0x3FAC] =	sst s0  }
0x18: {  	s0 =	sld [smem:$0x3F8F];
	_ =	swait.ge [sflag:s4], $0x0  }
0x19: {  	s7 =	sld [smem:$0x3F90]  }
0x1a: {  	s8 =	sadd.s32 $0xFFFFE003, lr  }
0x1b: {  	s9 =	sadd.s32 $0xFFFFFEF7, lr;
	s5 =	simm.s32 $0xFFFFFFFF;
	p2 =	slt.u32 s8, $0xFFFFF086  }
0x1c: {  	p1 =	slt.u32 s9, $0xF7A;
	s5 =	simm.s32 @!p2 $0x0  }
0x1d: {  	s5 =	simm.s32 @p1 $0x1;
	p0 =	seq.s32 s7, s2  }
0x1e: {  	s7 =	smul.u32 @!p0 $0xF7A, s2;
	p2 =	seq.s32 @!p0 s5, $0x0  }
0x1f: {  	s9 =	smul.u32 $0xF7A, s1;
	s8 =	simm.s32 @!p0 $0x1BF5;
	p2 =	por !p2, p0  }
0x20: {  	[sflag:s8] =	ssyncset.s32 @!p0 $0xFFFFF086;
	s6 =	sadd.s32 @!p0 s3, s7;
	s7 =	simm.s32 @!p0 $0x108  }
0x21: {  	s3 =	sadd.s32 s3, s9;
	s6 =	sadd.s32 @!p0 $0x88, s6;
	s7 =	simm.s32 @p2 $0x1082  }
0x22: {  	[simem:s7], [sflag:s8] =	dma.local @!p0 [hbm:s6], $0xF7A  }
0x23: {  	s9 =	sor.u32 $0xD0000000, s2;
	s6 =	simm.s32 $0x108;
	_ =	swait.ge @!p0 [sflag:s8], $0x0  }
0x24: {  	s3 =	sadd.s32 $0x88, s3;
	s6 =	simm.s32 @!p1 $0x1082;
	[sflag:s4] =	ssyncset.s32 $0xFFFFF086  }
0x25: {  	[simem:s6], [sflag:s4] =	dma.local [hbm:s3], $0xF7A  }
0x26: {  	[smem:$0x3F90] =	sst s1;
	(tag) =	ssettag s2;
	_ =	strace s9  }
0x27: {  	s1 =	sld [smem:$0x3FA0]  }
0x28: {  	s2 =	sld [smem:$0x3FA1]  }
0x29: {  	s4 =	sld [smem:$0x3FA3]  }
0x2a: {  	p0 =	seq.s32 s5, $0x0;
	s5 =	sld [smem:$0x3FA4]  }
0x2b: {  	s6 =	sld [smem:$0x3FA5]  }
0x2c: {  	s7 =	sld [smem:$0x3FA6]  }
0x2d: {  	s3 =	simm.s32 $0x108;
	s8 =	sld [smem:$0x3FA7]  }
0x2e: {  	s3 =	simm.s32 @!p0 $0x1082;
	s9 =	sld [smem:$0x3FA8]  }
0x2f: {  	lr =	sadd.s32 s0, s3;
	s0 =	sld [smem:$0x3F9F]  }
0x30: {  	s3 =	sld [smem:$0x3FA2]  }
0x31: {  	[smem:$0x3FAB] =	sst s10  }
0x32: {  	s10 =	sld [smem:$0x3FA9];
	_ =	sdelay $0x3  }
0x33: {  	p0 =	seq.s32 s10, $0x1;
	s10 =	sld [smem:$0x3FAB];
	_ =	sdelay $0x3  }
0x34: {  	[smem:$0x3FAB] =	sst s10  }
0x35: {  	s10 =	sld [smem:$0x3FAA];
	_ =	sdelay $0x3  }
0x36: {  	p1 =	seq.s32 s10, $0x1;
	s10 =	sld [smem:$0x3FAB];
	_ =	sdelay $0x3  }
0x37: {  	[smem:$0x3FAB] =	sst s10  }
0x38: {  	s10 =	sld [smem:$0x3FAC]  }
0x39: {  	_ = 	snop;
	(pc) =	sbr.ind lr, $3  }
0x3a: {  	_ = 	snop  }
0x3b: {  	_ = 	snop  }
0x3c: {  	p2 =	seq.s32 s10, $0x1;
	s10 =	sld [smem:$0x3FAB]  }
0x3d: {  	_ =	shalt  }
0x3e: {  	_ =	shalt  }
0x3f: {  	_ =	shalt  }
0x40: {  	_ =	shalt  }
0x41: {  	_ =	shalt  }
0x42: {  	_ =	shalt  }
0x43: {  	_ =	shalt  }
0x44: {  	_ =	shalt  }
0x45: {  	_ =	shalt  }
0x46: {  	_ =	shalt  }
0x47: {  	_ =	shalt  }
0x48: {  	_ =	shalt  }
0x49: {  	_ =	shalt  }
0x4a: {  	_ =	shalt  }
0x4b: {  	_ =	shalt  }
0x4c: {  	_ =	shalt  }
0x4d: {  	_ =	shalt  }
0x4e: {  	_ =	shalt  }
0x4f: {  	_ =	shalt  }
0x50: {  	_ =	shalt  }
0x51: {  	_ =	shalt  }
0x52: {  	_ =	shalt  }
0x53: {  	_ =	shalt  }
0x54: {  	_ =	shalt  }
0x55: {  	_ =	shalt  }
0x56: {  	_ =	shalt  }
0x57: {  	_ =	shalt  }
0x58: {  	_ =	shalt  }
0x59: {  	_ =	shalt  }
0x5a: {  	_ =	shalt  }
0x5b: {  	_ =	shalt  }
0x5c: {  	_ =	shalt  }
0x5d: {  	_ =	shalt  }
0x5e: {  	_ =	shalt  }
0x5f: {  	_ =	shalt  }
0x60: {  	_ =	shalt  }
0x61: {  	_ =	shalt  }
0x62: {  	_ =	shalt  }
0x63: {  	_ =	shalt  }
0x64: {  	_ =	shalt  }
0x65: {  	_ =	shalt  }
0x66: {  	_ =	shalt  }
0x67: {  	_ =	shalt  }
0x68: {  	_ =	shalt  }
0x69: {  	_ =	shalt  }
0x6a: {  	_ =	shalt  }
0x6b: {  	_ =	shalt  }
0x6c: {  	_ =	shalt  }
0x6d: {  	_ =	shalt  }
0x6e: {  	_ =	shalt  }
0x6f: {  	_ =	shalt  }
0x70: {  	_ =	shalt  }
0x71: {  	_ =	shalt  }
0x72: {  	_ =	shalt  }
0x73: {  	_ =	shalt  }
0x74: {  	_ =	shalt  }
0x75: {  	_ =	shalt  }
0x76: {  	_ =	shalt  }
0x77: {  	_ =	shalt  }
0x78: {  	_ =	shalt  }
0x79: {  	_ =	shalt  }
0x7a: {  	_ =	shalt  }
0x7b: {  	_ =	shalt  }
0x7c: {  	_ =	shalt  }
0x7d: {  	_ =	shalt  }
0x7e: {  	_ =	shalt  }
0x7f: {  	_ =	shalt  }
0x80: {  	_ =	shalt  }
0x81: {  	_ =	shalt  }
0x82: {  	_ =	shalt  }
0x83: {  	_ =	shalt  }
0x84: {  	_ =	shalt  }
0x85: {  	_ =	shalt  }
0x86: {  	_ =	shalt  }
0x87: {  	_ =	shalt  }
.Lfunc_end0:
.L_simem_size_0:
called_computation.1_lowered:
.L_overlay_start_0:
0x88: {  	s2 =	sld [smem:$0x3FD9]  }
0x89: {  	s3 =	sld [smem:$0x3FFE];
	_ =	sdelay $0x1  }
0x8a: {  	s1 =	srdreg.scid  }
0x8b: {  	s0 =	sand.u32 $0x1, s1  }
0x8c: {  	s16 =	sshll.u32 s0, $0xA;
	s2 =	sadd.s32 s3, s2  }
0x8d: {  	s2 =	sadd.s32 s2, s16  }
0x8e: {  	[smem:$0x3FB7] =	sst s2  }
0x8f: {  	_ = 	snop  }
0x90: {  	(tm) =	ssettm $0x1  }
0x91: {  	s17 =	sld [smem:$0x3FFB];
	_ =	sdelay $0x3  }
0x92: {  	_ =	strace s17  }
0x93: {  	s2 =	sld [smem:$0x3FFC];
	_ =	sdelay $0x3  }
0x94: {  	_ =	strace s2  }
0x95: {  	s2 =	sld [smem:$0x3FFD];
	_ =	sdelay $0x3  }
0x96: {  	_ =	strace s2  }
0x97: {  	_ =	strace $0x8FFFFFFF  }
0x98: {  	s18 =	sld [smem:$0x3FDB];
	_ =	sdelay $0x1  }
0x99: {  	s19 =	simm.s32 $_scs_section_size  }
0x9a: {  	s4 =	simm.s32 $_size__tile_overlayer_lowered;
	s5 =	simm.s32 $_tile_overlayer_lowered  }
0x9b: {  	s22 =	simm.s32 $0x1BFF;
	s21 =	sshll.u32 s5, $0x1;
	s2 =	sadd.s32 s19, s18  }
0x9c: {  	s6 =	simm.s32 $0x0;
	s20 =	sshll.u32 s4, $0x1;
	s4 =	sadd.s32 s21, s2  }
0x9d: {  	[timem:s6], [sflag:s22] =	dma.local [hbm:s4], s20  }
0x9e: {  	_ =	swait.ge [sflag:s22], s20  }
0x9f: {  	s3 =	ssub.s32 $0x0, s20;
	[sflag:s22] =	ssyncset.done $0x0  }
0xa0: {  	[sflag:s22] =	ssyncadd.s32 s3;
	_ =	sdelay $0x1  }
0xa1: {  	s23 =	simm.s32 $0x1B8B  }
0xa2: {  	_ =	swait.ge [sflag:s23], $0x1  }
0xa3: {  	[sflag:s23] =	ssyncset.done $0x0  }
0xa4: {  	s25 =	simm.s32 $0x1B8E;
	s24 =	sld [smem:$0x3FFE];
	[sflag:s23] =	ssyncadd.s32 $0xFFFFFFFF  }
0xa5: {  	s26 =	simm.s32 $execute0_lowered;
	[smem:$0x3FD2] =	sst s25  }
0xa6: {  	s4 =	sshll.u32 s26, $0x1;
	_ =	strace $0x80000046;
	[dreg:$0x1] =	wrdreg $0xFFFFFFFF  }
0xa7: {  	s28 =	simm.s32 $_size_execute0_lowered;
	s2 =	sadd.s32 s2, s4;
	[dreg:$0x0] =	wrdreg $0x0  }
0xa8: {  	s4 =	sshll.u32 s28, $0x1;
	[dreg:$0x2] =	wrdreg s2  }
0xa9: {  	[dreg:$0x3] =	wrdreg s4  }
0xaa: {  	[dreg:$0x4] =	wrdreg $0xC0  }
0xab: {  	_ =	task [dreg:s6], $0x5FFFF  }
0xac: {  	[dreg:$0x1] =	wrdreg $0xFFFFFFFF  }
0xad: {  	[dreg:$0x0] =	wrdreg $0x60  }
0xae: {  	[dreg:$0x2] =	wrdreg s24  }
0xaf: {  	[dreg:$0x3] =	wrdreg $0xA  }
0xb0: {  	_ =	task.clear_ibuf [dreg:s6], $0x4FFFF;
	_ =	strace $0x90000046  }
0xb1: {  	s29 =	simm.s32 $0xA;
	_ =	strace $0x80000048  }
0xb2: {  	_ =	swait.ge [sflag:s29], $0x1  }
0xb3: {  	[sflag:s29] =	ssyncadd.s32 $0xFFFFFFFF  }
0xb4: {  	_ =	strace $0x90000048  }
0xb5: {  	_ =	sfence  }
0xb6: {  	s30 =	sld [smem:$0x0];
	_ =	sdelay $0x2  }
0xb7: {  	s31 =	sshll.u32 s1, $0xD;
	s1 =	sshrl.u32 s1, $0x2  }
0xb8: {  	s3 =	sand.u32 $0x4000, s31;
	s1 =	sadd.s32 s1, s30  }
0xb9: {  	s0 =	sor.u32 s3, s0;
	s1 =	sshll.u32 s1, $0x11  }
0xba: {  	s0 =	sor.u32 s1, s0  }
0xbb: {  	s0 =	sadd.s32 $0x8F2B, s0  }
0xbc: {  	[sflag:s0] =	ssyncadd.remote.s32 $0x1  }
0xbd: {  	_ =	sfence.sel $0xFFFF  }
0xbe: {  	[dreg:$0x0] =	wrdreg $0xFFFFFFFF;
	(pc) =	sbr.abs _section_cstart, $3  }
0xbf: {  	[dreg:$0x1] =	wrdreg $0xFFFFFFFF  }
0xc0: {  	_ =	task.clear_ibuf [dreg:s6], $0x2FFFF;
	_ =	strace $0x9FFFFFFF  }
0xc1: {  	(tm) =	ssettm $0x7FFFFFFF  }
tec
execute0_lowered:
.L_overlay_start_1:
0x0: {  	(tag) =	ssettag $0x1  }
0x1: {  	s0 =	srdreg.scid;
	s6 =	stileid.u32  }
0x2: {  	s2 =	simm.s32 $0x1;
	s5 =	rddreg [dreg:$0x0];
	s4 =	simm.s32 $0x1F40  }
0x3: {  	s11 =	simm.s32 $0x9800;
	s12 =	simm.s32 $0xA000;
	s13 =	simm.s32 $0xA400  }
0x4: {  	s14 =	simm.s32 $0xAC00;
	s0 =	sand.u32 $0x1, s0;
	s1 =	sshll.u32 s6, $0x1  }
0x5: {  	s15 =	simm.s32 $0xB000;
	s16 =	simm.s32 $0xB800;
	s1 =	sor.u32 s0, s1  }
0x6: {  	s17 =	simm.s32 $0xBC00;
	p1 =	seq.s32 s0, $0x1;
	p0 =	seq.s32 s1, $0x0  }
0x7: {  	s18 =	simm.s32 $0xC400;
	s19 =	simm.s32 $0xC800;
	p0 =	por !p0, !p1  }
0x8: {  	s20 =	simm.s32 $0xD000;
	s21 =	simm.s32 $0xD400;
	p0 =	por !p0, !p0  }
0x9: {  	s7 =	smul.u32 $0x7D0, s0;
	s0 =	ssub.s32 $0x2, s0;
	s2 =	simm.s32 @!p0 $0x0  }
0xa: {  	s9 =	sshrl.u32 s0, $0x1;
	s3 =	ssub.s32 s6, s2;
	s2 =	simm.s32 $0x0  }
0xb: {  	s0 =	ssub.s32 s0, s9;
	s9 =	simm.s32 $0x8C00;
	[smem:$0x7FF] =	sst s2  }
0xc: {  	s0 =	smax.u32 s0, $0x1;
	_ =	strace $0x80000047;
	[dreg:$0x5] =	wrdreg s9  }
0xd: {  	s22 =	simm.s32 $0xDC00;
	s1 =	smul.u32 $0x7D0, s1;
	[dreg:$0x19] =	wrdreg s0  }
0xe: {  	s28 =	simm.s32 $0x7000;
	s29 =	simm.s32 $0x7400;
	[dreg:$0x7] =	wrdreg s11  }
0xf: {  	s30 =	simm.s32 $0x7C00;
	s1 =	sshrl.u32 s1, $0x3;
	[dreg:$0x8] =	wrdreg s12  }
0x10: {  	s31 =	simm.s32 $0x8000;
	s1 =	smul.u32 $0x180, s1;
	[dreg:$0x9] =	wrdreg s13  }
0x11: {  	s10 =	sadd.s32 $0xA3E00, s5;
	s6 =	smul.u32 $0xFA0, s6;
	[dreg:$0xa] =	wrdreg s14  }
0x12: {  	s4 =	simm.s32 @!p1 $0x1770;
	s3 =	smul.u32 $0x2710, s3;
	[dreg:$0xb] =	wrdreg s15  }
0x13: {  	s1 =	sadd.s32 s10, s1;
	s6 =	sadd.s32 s7, s6;
	[dreg:$0xc] =	wrdreg s16  }
0x14: {  	s1 =	sadd.s32 $0x16800, s1;
	s11 =	simm.s32 $0x1000;
	[dreg:$0xd] =	wrdreg s17  }
0x15: {  	s12 =	simm.s32 $0x1400;
	s13 =	simm.s32 $0x1C00;
	[dreg:$0xe] =	wrdreg s18  }
0x16: {  	s14 =	simm.s32 $0x2000;
	s15 =	simm.s32 $0x2800;
	[dreg:$0xf] =	wrdreg s19  }
0x17: {  	s16 =	simm.s32 $0x2C00;
	s17 =	simm.s32 $0x3400;
	[dreg:$0x10] =	wrdreg s20  }
0x18: {  	s18 =	simm.s32 $0x3800;
	s19 =	simm.s32 $0x4000;
	[dreg:$0x11] =	wrdreg s21  }
0x19: {  	s20 =	simm.s32 $0x4400;
	[dreg:$0x12] =	wrdreg s22;
	s21 =	simm.s32 $0x4C00  }
0x1a: {  	s22 =	simm.s32 $0x5000;
	s0 =	simm.s32 $0x3;
	s4 =	sadd.s32 s3, s4  }
0x1b: {  	s3 =	sadd.s32 $0x2EA00, s5;
	s24 =	sadd.s32 $0x50, s6;
	s6 =	sshrl.u32 s6, $0x3  }
0x1c: {  	[dreg:$0x18] =	wrdreg s1;
	s8 =	sshrl.u32 s4, $0x3;
	s6 =	smul.u32 $0x180, s6  }
0x1d: {  	s23 =	sadd.s32 s8, s5;
	s8 =	sshrl.u32 s24, $0x3;
	s24 =	simm.s32 $0xE800  }
0x1e: {  	s1 =	simm.s32 $0x2;
	s7 =	sadd.s32 $0x2800, s23;
	[dreg:$0x14] =	wrdreg s24  }
0x1f: {  	s4 =	simm.s32 $0x1;
	s26 =	sadd.s32 s6, s10;
	[dreg:$0x17] =	wrdreg s7  }
0x20: {  	s8 =	smul.u32 $0x180, s8;
	s23 =	simm.s32 $0xE000;
	[dreg:$0x3] =	wrdreg s26  }
0x21: {  	s6 =	sadd.s32 $0x2EB00, s5;
	[dreg:$0x13] =	wrdreg s23;
	s26 =	simm.s32 $0xF400  }
0x22: {  	s24 =	simm.s32 $0x5C00;
	s25 =	sadd.s32 s8, s10;
	[dreg:$0x16] =	wrdreg s26  }
0x23: {  	s23 =	simm.s32 $0x5800;
	s8 =	simm.s32 $0x8800;
	[dreg:$0x2] =	wrdreg s25  }
0x24: {  	v2 =	vlaneseq.u32;
	s7 =	simm.s32 $0x0;
	s10 =	simm.s32 $0x9400;
	[dreg:$0x4] =	wrdreg s8  }
0x25: {  	vm0 =	vmmov $0xffff;
	vm1 =	vmmov $0xff;
	v1 =	vshrl.u32 v2, $0x3;
	s26 =	simm.s32 $0x6800;
	[dreg:$0x6] =	wrdreg s10;
	s25 =	simm.s32 $0xEC00  }
0x26: {  	v0 =	vand.u32 $0x7, v2;
	v2 =	vor.u32 $0x8, v2;
	v1 =	vmul.u32 $0x8, v1;
	s10 =	simm.s32 $0x800;
	[dreg:$0x15] =	wrdreg s25;
	s25 =	simm.s32 $0x6400  }
.LBB2_1:
0x27: {  	[dreg:$0x1a] =	wrdreg s7  }
0x28: {  	s5 =	rddreg [dreg:$0x17];
	s9 =	simm.s32 $0x5  }
0x29: {  	[tilespmem:s2], [sflag:$0x5] =	stream.linear.gather [hbm4b:s5+s2], $0x7D0, $0x38;
	[tilespmem:$0xF800] =	vst v63  }
0x2a: {  	_ =	swait.ge [sflag:s9], $0x7D0  }
0x2b: {  	[sflag:s9] =	ssyncset.done $0x0  }
0x2c: {  	[sflag:s9] =	ssyncadd.s32 $0xFFFFF830  }
0x2d: {  	v3 =	vld [tilespmem:$0x0];
	_ =	sdelay $0x4  }
0x2e: {  	v4 =	vshrl.u32 v3, $0x3  }
0x2f: {  	v4 =	vmul.u32 $0x18, v4  }
0x30: {  	v3 =	vand.u32 $0x7, v3  }
0x31: {  	v3 =	vor.u32 v3, v4  }
0x32: {  	v4 =	vperm.xlane v3, v0;
	_ =	sdelay $0x1  }
0x33: {  	v4 =	vadd.s32 v1, v4;
	_ =	sdelay $0x1  }
0x34: {  	v3 =	vperm.xlane v3, v2;
	_ =	sdelay $0x1  }
0x35: {  	v3 =	vadd.s32 v1, v3  }
0x36: {  	[tilespmem:s10], [sflag:$0x1] =	stream.indirect_vreg.gather [hbm4b:s3+s2], $0x80, v4, vm0, $0xb8;
	[tilespmem:$0xF800] =	vst v63  }
0x37: {  	_ = 	snop  }
0x38: {  	[tilespmem:s11], [sflag:$0x1] =	stream.indirect_vreg.gather [hbm4b:s6+s2], $0x80, v4, vm1, $0xb8;
	[tilespmem:$0xF800] =	vst v63  }
0x39: {  	_ = 	snop  }
0x3a: {  	[tilespmem:s12], [sflag:$0x1] =	stream.indirect_vreg.gather [hbm4b:s3+s2], $0x80, v3, vm0, $0xb8;
	[tilespmem:$0xF800] =	vst v63  }
0x3b: {  	_ = 	snop  }
0x3c: {  	[tilespmem:s13], [sflag:$0x1] =	stream.indirect_vreg.gather [hbm4b:s6+s2], $0x80, v3, vm1, $0xb8;
	[tilespmem:$0xF800] =	vst v63  }
0x3d: {  	v3 =	vld [tilespmem:$0x10];
	_ =	sdelay $0x4  }
0x3e: {  	v60 =	vshrl.u32 v3, $0x3  }
0x3f: {  	v4 =	vmul.u32 $0x18, v60  }
0x40: {  	v3 =	vand.u32 $0x7, v3  }
0x41: {  	v3 =	vor.u32 v3, v4  }
0x42: {  	v4 =	vperm.xlane v3, v0;
	_ =	sdelay $0x1  }
0x43: {  	v4 =	vadd.s32 v1, v4;
	_ =	sdelay $0x1  }
0x44: {  	v3 =	vperm.xlane v3, v2;
	_ =	sdelay $0x1  }
0x45: {  	v3 =	vadd.s32 v1, v3  }
0x46: {  	[tilespmem:s14], [sflag:$0x1] =	stream.indirect_vreg.gather [hbm4b:s3+s2], $0x80, v4, vm0, $0xb8;
	[tilespmem:$0xF800] =	vst v63  }
0x47: {  	_ = 	snop  }
0x48: {  	[tilespmem:s15], [sflag:$0x1] =	stream.indirect_vreg.gather [hbm4b:s6+s2], $0x80, v4, vm1, $0xb8;
	[tilespmem:$0xF800] =	vst v63  }
0x49: {  	_ = 	snop  }
0x4a: {  	[tilespmem:s16], [sflag:$0x1] =	stream.indirect_vreg.gather [hbm4b:s3+s2], $0x80, v3, vm0, $0xb8;
	[tilespmem:$0xF800] =	vst v63  }
0x4b: {  	_ = 	snop  }
0x4c: {  	[tilespmem:s17], [sflag:$0x1] =	stream.indirect_vreg.gather [hbm4b:s6+s2], $0x80, v3, vm1, $0xb8;
	[tilespmem:$0xF800] =	vst v63  }
0x4d: {  	v3 =	vld [tilespmem:$0x20];
	_ =	sdelay $0x4  }
0x4e: {  	v61 =	vshrl.u32 v3, $0x3  }
0x4f: {  	v4 =	vmul.u32 $0x18, v61  }
0x50: {  	v3 =	vand.u32 $0x7, v3  }
0x51: {  	v3 =	vor.u32 v3, v4  }
0x52: {  	v4 =	vperm.xlane v3, v0;
	_ =	sdelay $0x1  }
0x53: {  	v4 =	vadd.s32 v1, v4;
	_ =	sdelay $0x1  }
0x54: {  	v3 =	vperm.xlane v3, v2;
	_ =	sdelay $0x1  }
0x55: {  	v3 =	vadd.s32 v1, v3  }
0x56: {  	[tilespmem:s18], [sflag:$0x1] =	stream.indirect_vreg.gather [hbm4b:s3+s2], $0x80, v4, vm0, $0xb8;
	[tilespmem:$0xF800] =	vst v63  }
0x57: {  	_ = 	snop  }
0x58: {  	[tilespmem:s19], [sflag:$0x1] =	stream.indirect_vreg.gather [hbm4b:s6+s2], $0x80, v4, vm1, $0xb8;
	[tilespmem:$0xF800] =	vst v63  }
0x59: {  	_ = 	snop  }
0x5a: {  	[tilespmem:s20], [sflag:$0x1] =	stream.indirect_vreg.gather [hbm4b:s3+s2], $0x80, v3, vm0, $0xb8;
	[tilespmem:$0xF800] =	vst v63  }
0x5b: {  	_ = 	snop  }
0x5c: {  	[tilespmem:s21], [sflag:$0x1] =	stream.indirect_vreg.gather [hbm4b:s6+s2], $0x80, v3, vm1, $0xb8;
	[tilespmem:$0xF800] =	vst v63  }
0x5d: {  	v3 =	vld [tilespmem:$0x30];
	_ =	sdelay $0x4  }
0x5e: {  	v62 =	vshrl.u32 v3, $0x3  }
0x5f: {  	v4 =	vmul.u32 $0x18, v62  }
0x60: {  	v3 =	vand.u32 $0x7, v3  }
0x61: {  	v3 =	vor.u32 v3, v4  }
0x62: {  	v4 =	vperm.xlane v3, v0;
	_ =	sdelay $0x1  }
0x63: {  	v4 =	vadd.s32 v1, v4;
	_ =	sdelay $0x1  }
0x64: {  	v3 =	vperm.xlane v3, v2;
	_ =	sdelay $0x1  }
0x65: {  	v3 =	vadd.s32 v1, v3  }
0x66: {  	[tilespmem:s22], [sflag:$0x1] =	stream.indirect_vreg.gather [hbm4b:s3+s2], $0x80, v4, vm0, $0xb8;
	[tilespmem:$0xF800] =	vst v63  }
0x67: {  	_ = 	snop  }
0x68: {  	[tilespmem:s23], [sflag:$0x1] =	stream.indirect_vreg.gather [hbm4b:s6+s2], $0x80, v4, vm1, $0xb8;
	[tilespmem:$0xF800] =	vst v63  }
0x69: {  	_ = 	snop  }
0x6a: {  	[tilespmem:s24], [sflag:$0x1] =	stream.indirect_vreg.gather [hbm4b:s3+s2], $0x80, v3, vm0, $0xb8;
	[tilespmem:$0xF800] =	vst v63  }
0x6b: {  	_ = 	snop  }
0x6c: {  	[tilespmem:s25], [sflag:$0x1] =	stream.indirect_vreg.gather [hbm4b:s6+s2], $0x80, v3, vm1, $0xb8;
	[tilespmem:$0xF800] =	vst v63  }
0x6d: {  	v3 =	vld [tilespmem:$0x40];
	_ =	sdelay $0x4  }
0x6e: {  	v63 =	vshrl.u32 v3, $0x3  }
0x6f: {  	v4 =	vmul.u32 $0x18, v63  }
0x70: {  	v3 =	vand.u32 $0x7, v3  }
0x71: {  	v3 =	vor.u32 v3, v4  }
0x72: {  	v4 =	vperm.xlane v3, v0;
	_ =	sdelay $0x1  }
0x73: {  	v4 =	vadd.s32 v1, v4;
	_ =	sdelay $0x1  }
0x74: {  	v3 =	vperm.xlane v3, v2;
	_ =	sdelay $0x1  }
0x75: {  	v3 =	vadd.s32 v1, v3  }
0x76: {  	[tilespmem:s26], [sflag:$0x1] =	stream.indirect_vreg.gather [hbm4b:s3+s2], $0x80, v4, vm0, $0xb8;
	[tilespmem:$0xF800] =	vst v63  }
0x77: {  	_ = 	snop  }
0x78: {  	[tilespmem:s28], [sflag:$0x1] =	stream.indirect_vreg.gather [hbm4b:s6+s2], $0x80, v4, vm1, $0xb8;
	[tilespmem:$0xF800] =	vst v63  }
0x79: {  	_ = 	snop  }
0x7a: {  	[tilespmem:s29], [sflag:$0x1] =	stream.indirect_vreg.gather [hbm4b:s3+s2], $0x80, v3, vm0, $0xb8;
	[tilespmem:$0xF800] =	vst v63  }
0x7b: {  	s8 =	simm.s32 $0x70;
	s9 =	simm.s32 $0x0  }
0x7c: {  	[tilespmem:s30], [sflag:$0x1] =	stream.indirect_vreg.gather [hbm4b:s6+s2], $0x80, v3, vm1, $0xb8;
	[tilespmem:$0xF800] =	vst v63  }
.LBB2_2:
0x7d: {  	_ =	swait.ge [sflag:s4], $0x7800  }
0x7e: {  	s5 =	rddreg [dreg:$0x3];
	[sflag:s4] =	ssyncset.done $0x0  }
0x7f: {  	p0 =	seq.s32 s9, $0x0;
	[sflag:s4] =	ssyncadd.s32 $0xFFFF8800;
	s5 =	sadd.s32 s9, s5  }
0x80: {  	[hbm4b:s5+s2] =	stream.linear.scatter [tilespmem:s10], [sflag:$0x3], $0x7800, $0x38;
	[tilespmem:$0xF800] =	vst v63  }
0x81: {  	s5 =	simm.s32 @!p0 $0x4  }
0x82: {  	_ =	swait.ge @!p0 [sflag:s5], $0x7800  }
0x83: {  	[sflag:s5] =	ssyncset.done @!p0 $0x0  }
0x84: {  	[sflag:s5] =	ssyncadd.s32 @!p0 $0xFFFF8800  }
0x85: {  	v3 =	vld [tilespmem:s8+$0xFFFFFFE0];
	_ =	sdelay $0x4  }
0x86: {  	v4 =	vshrl.u32 v3, $0x3  }
0x87: {  	v4 =	vmul.u32 $0x18, v4  }
0x88: {  	v3 =	vand.u32 $0x7, v3  }
0x89: {  	v3 =	vor.u32 v3, v4  }
0x8a: {  	v4 =	vperm.xlane v3, v0;
	_ =	sdelay $0x1  }
0x8b: {  	v4 =	vadd.s32 v1, v4;
	_ =	sdelay $0x1  }
0x8c: {  	v3 =	vperm.xlane v3, v2;
	_ =	sdelay $0x1  }
0x8d: {  	v3 =	vadd.s32 v1, v3  }
0x8e: {  	[tilespmem:s31], [sflag:$0x2] =	stream.indirect_vreg.gather [hbm4b:s3+s2], $0x80, v4, vm0, $0xb8;
	[tilespmem:$0xF800] =	vst v63  }
0x8f: {  	s5 =	rddreg [dreg:$0x4]  }
0x90: {  	[tilespmem:s5], [sflag:$0x2] =	stream.indirect_vreg.gather [hbm4b:s6+s2], $0x80, v4, vm1, $0xb8;
	[tilespmem:$0xF800] =	vst v63  }
0x91: {  	s7 =	rddreg [dreg:$0x5]  }
0x92: {  	[tilespmem:s7], [sflag:$0x2] =	stream.indirect_vreg.gather [hbm4b:s3+s2], $0x80, v3, vm0, $0xb8;
	[tilespmem:$0xF800] =	vst v63  }
0x93: {  	s5 =	rddreg [dreg:$0x6]  }
0x94: {  	[tilespmem:s5], [sflag:$0x2] =	stream.indirect_vreg.gather [hbm4b:s6+s2], $0x80, v3, vm1, $0xb8;
	[tilespmem:$0xF800] =	vst v63  }
0x95: {  	v3 =	vld [tilespmem:s8+$0xFFFFFFF0];
	_ =	sdelay $0x4  }
0x96: {  	v55 =	vshrl.u32 v3, $0x3  }
0x97: {  	v4 =	vmul.u32 $0x18, v55  }
0x98: {  	v3 =	vand.u32 $0x7, v3  }
0x99: {  	v3 =	vor.u32 v3, v4  }
0x9a: {  	v4 =	vperm.xlane v3, v0;
	_ =	sdelay $0x1  }
0x9b: {  	v4 =	vadd.s32 v1, v4;
	_ =	sdelay $0x1  }
0x9c: {  	v3 =	vperm.xlane v3, v2;
	_ =	sdelay $0x1  }
0x9d: {  	s5 =	rddreg [dreg:$0x7];
	v3 =	vadd.s32 v1, v3  }
0x9e: {  	[tilespmem:s5], [sflag:$0x2] =	stream.indirect_vreg.gather [hbm4b:s3+s2], $0x80, v4, vm0, $0xb8;
	[tilespmem:$0xF800] =	vst v63  }
0x9f: {  	s7 =	rddreg [dreg:$0x8]  }
0xa0: {  	[tilespmem:s7], [sflag:$0x2] =	stream.indirect_vreg.gather [hbm4b:s6+s2], $0x80, v4, vm1, $0xb8;
	[tilespmem:$0xF800] =	vst v63  }
0xa1: {  	s5 =	rddreg [dreg:$0x9]  }
0xa2: {  	[tilespmem:s5], [sflag:$0x2] =	stream.indirect_vreg.gather [hbm4b:s3+s2], $0x80, v3, vm0, $0xb8;
	[tilespmem:$0xF800] =	vst v63  }
0xa3: {  	s7 =	rddreg [dreg:$0xa]  }
0xa4: {  	[tilespmem:s7], [sflag:$0x2] =	stream.indirect_vreg.gather [hbm4b:s6+s2], $0x80, v3, vm1, $0xb8;
	[tilespmem:$0xF800] =	vst v63  }
0xa5: {  	v3 =	vld [tilespmem:s8+$0x0];
	_ =	sdelay $0x4  }
0xa6: {  	v56 =	vshrl.u32 v3, $0x3  }
0xa7: {  	v4 =	vmul.u32 $0x18, v56  }
0xa8: {  	v3 =	vand.u32 $0x7, v3  }
0xa9: {  	v3 =	vor.u32 v3, v4  }
0xaa: {  	v4 =	vperm.xlane v3, v0;
	_ =	sdelay $0x1  }
0xab: {  	v4 =	vadd.s32 v1, v4;
	_ =	sdelay $0x1  }
0xac: {  	v3 =	vperm.xlane v3, v2;
	_ =	sdelay $0x1  }
0xad: {  	s5 =	rddreg [dreg:$0xb];
	v3 =	vadd.s32 v1, v3  }
0xae: {  	[tilespmem:s5], [sflag:$0x2] =	stream.indirect_vreg.gather [hbm4b:s3+s2], $0x80, v4, vm0, $0xb8;
	[tilespmem:$0xF800] =	vst v63  }
0xaf: {  	s7 =	rddreg [dreg:$0xc]  }
0xb0: {  	[tilespmem:s7], [sflag:$0x2] =	stream.indirect_vreg.gather [hbm4b:s6+s2], $0x80, v4, vm1, $0xb8;
	[tilespmem:$0xF800] =	vst v63  }
0xb1: {  	s5 =	rddreg [dreg:$0xd]  }
0xb2: {  	[tilespmem:s5], [sflag:$0x2] =	stream.indirect_vreg.gather [hbm4b:s3+s2], $0x80, v3, vm0, $0xb8;
	[tilespmem:$0xF800] =	vst v63  }
0xb3: {  	s7 =	rddreg [dreg:$0xe]  }
0xb4: {  	[tilespmem:s7], [sflag:$0x2] =	stream.indirect_vreg.gather [hbm4b:s6+s2], $0x80, v3, vm1, $0xb8;
	[tilespmem:$0xF800] =	vst v63  }
0xb5: {  	v3 =	vld [tilespmem:s8+$0x10];
	_ =	sdelay $0x4  }
0xb6: {  	v57 =	vshrl.u32 v3, $0x3  }
0xb7: {  	v4 =	vmul.u32 $0x18, v57  }
0xb8: {  	v3 =	vand.u32 $0x7, v3  }
0xb9: {  	v3 =	vor.u32 v3, v4  }
0xba: {  	v4 =	vperm.xlane v3, v0;
	_ =	sdelay $0x1  }
0xbb: {  	v4 =	vadd.s32 v1, v4;
	_ =	sdelay $0x1  }
0xbc: {  	v3 =	vperm.xlane v3, v2;
	_ =	sdelay $0x1  }
0xbd: {  	s5 =	rddreg [dreg:$0xf];
	v3 =	vadd.s32 v1, v3  }
0xbe: {  	[tilespmem:s5], [sflag:$0x2] =	stream.indirect_vreg.gather [hbm4b:s3+s2], $0x80, v4, vm0, $0xb8;
	[tilespmem:$0xF800] =	vst v63  }
0xbf: {  	s7 =	rddreg [dreg:$0x10]  }
0xc0: {  	[tilespmem:s7], [sflag:$0x2] =	stream.indirect_vreg.gather [hbm4b:s6+s2], $0x80, v4, vm1, $0xb8;
	[tilespmem:$0xF800] =	vst v63  }
0xc1: {  	s5 =	rddreg [dreg:$0x11]  }
0xc2: {  	[tilespmem:s5], [sflag:$0x2] =	stream.indirect_vreg.gather [hbm4b:s3+s2], $0x80, v3, vm0, $0xb8;
	[tilespmem:$0xF800] =	vst v63  }
0xc3: {  	s7 =	rddreg [dreg:$0x12]  }
0xc4: {  	[tilespmem:s7], [sflag:$0x2] =	stream.indirect_vreg.gather [hbm4b:s6+s2], $0x80, v3, vm1, $0xb8;
	[tilespmem:$0xF800] =	vst v63  }
0xc5: {  	v3 =	vld [tilespmem:s8+$0x20];
	_ =	sdelay $0x4  }
0xc6: {  	v58 =	vshrl.u32 v3, $0x3  }
0xc7: {  	v4 =	vmul.u32 $0x18, v58  }
0xc8: {  	v3 =	vand.u32 $0x7, v3  }
0xc9: {  	v3 =	vor.u32 v3, v4  }
0xca: {  	v4 =	vperm.xlane v3, v0;
	_ =	sdelay $0x1  }
0xcb: {  	v4 =	vadd.s32 v1, v4;
	_ =	sdelay $0x1  }
0xcc: {  	v3 =	vperm.xlane v3, v2;
	_ =	sdelay $0x1  }
0xcd: {  	s5 =	rddreg [dreg:$0x13];
	v3 =	vadd.s32 v1, v3  }
0xce: {  	[tilespmem:s5], [sflag:$0x2] =	stream.indirect_vreg.gather [hbm4b:s3+s2], $0x80, v4, vm0, $0xb8;
	[tilespmem:$0xF800] =	vst v63  }
0xcf: {  	s7 =	rddreg [dreg:$0x14]  }
0xd0: {  	[tilespmem:s7], [sflag:$0x2] =	stream.indirect_vreg.gather [hbm4b:s6+s2], $0x80, v4, vm1, $0xb8;
	[tilespmem:$0xF800] =	vst v63  }
0xd1: {  	s5 =	rddreg [dreg:$0x15]  }
0xd2: {  	[tilespmem:s5], [sflag:$0x2] =	stream.indirect_vreg.gather [hbm4b:s3+s2], $0x80, v3, vm0, $0xb8;
	[tilespmem:$0xF800] =	vst v63  }
0xd3: {  	s7 =	rddreg [dreg:$0x16]  }
0xd4: {  	[tilespmem:s7], [sflag:$0x2] =	stream.indirect_vreg.gather [hbm4b:s6+s2], $0x80, v3, vm1, $0xb8;
	[tilespmem:$0xF800] =	vst v63  }
0xd5: {  	_ =	swait.ge [sflag:s1], $0x7800  }
0xd6: {  	s7 =	rddreg [dreg:$0x2];
	[sflag:s1] =	ssyncset.done $0x0  }
0xd7: {  	[sflag:s1] =	ssyncadd.s32 $0xFFFF8800;
	s5 =	sadd.s32 s9, s7  }
0xd8: {  	[hbm4b:s5+s2] =	stream.linear.scatter [tilespmem:s31], [sflag:$0x4], $0x7800, $0x38;
	[tilespmem:$0xF800] =	vst v63  }
0xd9: {  	_ =	swait.ge [sflag:s0], $0x7800  }
0xda: {  	[sflag:s0] =	ssyncset.done $0x0  }
0xdb: {  	[sflag:s0] =	ssyncadd.s32 $0xFFFF8800  }
0xdc: {  	v3 =	vld [tilespmem:s8+$0x30];
	_ =	sdelay $0x4  }
0xdd: {  	v59 =	vshrl.u32 v3, $0x3  }
0xde: {  	v4 =	vmul.u32 $0x18, v59  }
0xdf: {  	v3 =	vand.u32 $0x7, v3  }
0xe0: {  	v3 =	vor.u32 v3, v4  }
0xe1: {  	v4 =	vperm.xlane v3, v0;
	_ =	sdelay $0x1  }
0xe2: {  	v4 =	vadd.s32 v1, v4;
	_ =	sdelay $0x1  }
0xe3: {  	v3 =	vperm.xlane v3, v2;
	_ =	sdelay $0x1  }
0xe4: {  	v3 =	vadd.s32 v1, v3  }
0xe5: {  	[tilespmem:s10], [sflag:$0x1] =	stream.indirect_vreg.gather [hbm4b:s3+s2], $0x80, v4, vm0, $0xb8;
	[tilespmem:$0xF800] =	vst v63  }
0xe6: {  	_ = 	snop  }
0xe7: {  	[tilespmem:s11], [sflag:$0x1] =	stream.indirect_vreg.gather [hbm4b:s6+s2], $0x80, v4, vm1, $0xb8;
	[tilespmem:$0xF800] =	vst v63  }
0xe8: {  	_ = 	snop  }
0xe9: {  	[tilespmem:s12], [sflag:$0x1] =	stream.indirect_vreg.gather [hbm4b:s3+s2], $0x80, v3, vm0, $0xb8;
	[tilespmem:$0xF800] =	vst v63  }
0xea: {  	_ = 	snop  }
0xeb: {  	[tilespmem:s13], [sflag:$0x1] =	stream.indirect_vreg.gather [hbm4b:s6+s2], $0x80, v3, vm1, $0xb8;
	[tilespmem:$0xF800] =	vst v63  }
0xec: {  	v3 =	vld [tilespmem:s8+$0x40];
	_ =	sdelay $0x4  }
0xed: {  	v60 =	vshrl.u32 v3, $0x3  }
0xee: {  	v4 =	vmul.u32 $0x18, v60  }
0xef: {  	v3 =	vand.u32 $0x7, v3  }
0xf0: {  	v3 =	vor.u32 v3, v4  }
0xf1: {  	v4 =	vperm.xlane v3, v0;
	_ =	sdelay $0x1  }
0xf2: {  	v4 =	vadd.s32 v1, v4;
	_ =	sdelay $0x1  }
0xf3: {  	v3 =	vperm.xlane v3, v2;
	_ =	sdelay $0x1  }
0xf4: {  	v3 =	vadd.s32 v1, v3  }
0xf5: {  	[tilespmem:s14], [sflag:$0x1] =	stream.indirect_vreg.gather [hbm4b:s3+s2], $0x80, v4, vm0, $0xb8;
	[tilespmem:$0xF800] =	vst v63  }
0xf6: {  	_ = 	snop  }
0xf7: {  	[tilespmem:s15], [sflag:$0x1] =	stream.indirect_vreg.gather [hbm4b:s6+s2], $0x80, v4, vm1, $0xb8;
	[tilespmem:$0xF800] =	vst v63  }
0xf8: {  	_ = 	snop  }
0xf9: {  	[tilespmem:s16], [sflag:$0x1] =	stream.indirect_vreg.gather [hbm4b:s3+s2], $0x80, v3, vm0, $0xb8;
	[tilespmem:$0xF800] =	vst v63  }
0xfa: {  	_ = 	snop  }
0xfb: {  	[tilespmem:s17], [sflag:$0x1] =	stream.indirect_vreg.gather [hbm4b:s6+s2], $0x80, v3, vm1, $0xb8;
	[tilespmem:$0xF800] =	vst v63  }
0xfc: {  	v3 =	vld [tilespmem:s8+$0x50];
	_ =	sdelay $0x4  }
0xfd: {  	v61 =	vshrl.u32 v3, $0x3  }
0xfe: {  	v4 =	vmul.u32 $0x18, v61  }
0xff: {  	v3 =	vand.u32 $0x7, v3  }
0x100: {  	v3 =	vor.u32 v3, v4  }
0x101: {  	v4 =	vperm.xlane v3, v0;
	_ =	sdelay $0x1  }
0x102: {  	v4 =	vadd.s32 v1, v4;
	_ =	sdelay $0x1  }
0x103: {  	v3 =	vperm.xlane v3, v2;
	_ =	sdelay $0x1  }
0x104: {  	v3 =	vadd.s32 v1, v3  }
0x105: {  	[tilespmem:s18], [sflag:$0x1] =	stream.indirect_vreg.gather [hbm4b:s3+s2], $0x80, v4, vm0, $0xb8;
	[tilespmem:$0xF800] =	vst v63  }
0x106: {  	_ = 	snop  }
0x107: {  	[tilespmem:s19], [sflag:$0x1] =	stream.indirect_vreg.gather [hbm4b:s6+s2], $0x80, v4, vm1, $0xb8;
	[tilespmem:$0xF800] =	vst v63  }
0x108: {  	_ = 	snop  }
0x109: {  	[tilespmem:s20], [sflag:$0x1] =	stream.indirect_vreg.gather [hbm4b:s3+s2], $0x80, v3, vm0, $0xb8;
	[tilespmem:$0xF800] =	vst v63  }
0x10a: {  	_ = 	snop  }
0x10b: {  	[tilespmem:s21], [sflag:$0x1] =	stream.indirect_vreg.gather [hbm4b:s6+s2], $0x80, v3, vm1, $0xb8;
	[tilespmem:$0xF800] =	vst v63  }
0x10c: {  	v3 =	vld [tilespmem:s8+$0x60];
	_ =	sdelay $0x4  }
0x10d: {  	v62 =	vshrl.u32 v3, $0x3  }
0x10e: {  	v4 =	vmul.u32 $0x18, v62  }
0x10f: {  	v3 =	vand.u32 $0x7, v3  }
0x110: {  	v3 =	vor.u32 v3, v4  }
0x111: {  	v4 =	vperm.xlane v3, v0;
	_ =	sdelay $0x1  }
0x112: {  	v4 =	vadd.s32 v1, v4;
	_ =	sdelay $0x1  }
0x113: {  	v3 =	vperm.xlane v3, v2;
	_ =	sdelay $0x1  }
0x114: {  	v3 =	vadd.s32 v1, v3  }
0x115: {  	[tilespmem:s22], [sflag:$0x1] =	stream.indirect_vreg.gather [hbm4b:s3+s2], $0x80, v4, vm0, $0xb8;
	[tilespmem:$0xF800] =	vst v63  }
0x116: {  	_ = 	snop  }
0x117: {  	[tilespmem:s23], [sflag:$0x1] =	stream.indirect_vreg.gather [hbm4b:s6+s2], $0x80, v4, vm1, $0xb8;
	[tilespmem:$0xF800] =	vst v63  }
0x118: {  	_ = 	snop  }
0x119: {  	[tilespmem:s24], [sflag:$0x1] =	stream.indirect_vreg.gather [hbm4b:s3+s2], $0x80, v3, vm0, $0xb8;
	[tilespmem:$0xF800] =	vst v63  }
0x11a: {  	_ = 	snop  }
0x11b: {  	[tilespmem:s25], [sflag:$0x1] =	stream.indirect_vreg.gather [hbm4b:s6+s2], $0x80, v3, vm1, $0xb8;
	[tilespmem:$0xF800] =	vst v63  }
0x11c: {  	v3 =	vld [tilespmem:s8+$0x70];
	_ =	sdelay $0x4  }
0x11d: {  	v63 =	vshrl.u32 v3, $0x3  }
0x11e: {  	v4 =	vmul.u32 $0x18, v63  }
0x11f: {  	v3 =	vand.u32 $0x7, v3  }
0x120: {  	v3 =	vor.u32 v3, v4  }
0x121: {  	v4 =	vperm.xlane v3, v0;
	_ =	sdelay $0x1  }
0x122: {  	v4 =	vadd.s32 v1, v4;
	_ =	sdelay $0x2  }
0x123: {  	v3 =	vperm.xlane v3, v2  }
0x124: {  	s9 =	sadd.s32 $0x1E00, s9  }
0x125: {  	v3 =	vadd.s32 v1, v3;
	[tilespmem:s26], [sflag:$0x1] =	stream.indirect_vreg.gather [hbm4b:s3+s2], $0x80, v4, vm0, $0xb8;
	[tilespmem:$0xF800] =	vst v63  }
0x126: {  	p0 =	sne.s32 s9, $0x16800  }
0x127: {  	[tilespmem:s28], [sflag:$0x1] =	stream.indirect_vreg.gather [hbm4b:s6+s2], $0x80, v4, vm1, $0xb8;
	[tilespmem:$0xF800] =	vst v63  }
.Ltmp0:
0x128: {  	_ = 	snop;
	(pc) =	sbr.rel @p0 .LBB2_2-.Ltmp0, $4  }
0x129: {  	_ = 	snop  }
0x12a: {  	[tilespmem:s29], [sflag:$0x1] =	stream.indirect_vreg.gather [hbm4b:s3+s2], $0x80, v3, vm0, $0xb8;
	[tilespmem:$0xF800] =	vst v63  }
0x12b: {  	s8 =	sadd.s32 $0xA0, s8  }
0x12c: {  	[tilespmem:s30], [sflag:$0x1] =	stream.indirect_vreg.gather [hbm4b:s6+s2], $0x80, v3, vm1, $0xb8;
	[tilespmem:$0xF800] =	vst v63  }
0x12d: {  	_ =	swait.ge [sflag:s4], $0x7800  }
0x12e: {  	[sflag:s4] =	ssyncset.done $0x0  }
0x12f: {  	s8 =	simm.s32 $0x4;
	s5 =	rddreg [dreg:$0x18];
	[sflag:s4] =	ssyncadd.s32 $0xFFFF8800  }
0x130: {  	[hbm4b:s5+s2] =	stream.linear.scatter [tilespmem:s10], [sflag:$0x3], $0x7800, $0x38;
	[tilespmem:$0xF800] =	vst v63  }
0x131: {  	_ =	swait.ge [sflag:s8], $0x7800  }
0x132: {  	[sflag:s8] =	ssyncset.done $0x0  }
0x133: {  	[sflag:s8] =	ssyncadd.s32 $0xFFFF8800  }
0x134: {  	_ =	swait.ge [sflag:s0], $0x7800  }
0x135: {  	s7 =	rddreg [dreg:$0x1a]  }
0x136: {  	s9 =	rddreg [dreg:$0x19];
	s7 =	sadd.s32 $0x1, s7  }
0x137: {  	p0 =	sne.s32 s7, s9  }
.Ltmp1:
0x138: {  	_ = 	snop;
	(pc) =	sbr.rel @p0 .LBB2_1-.Ltmp1, $3  }
0x139: {  	_ =	sdelay $0x1  }
0x13a: {  	[sflag:s0] =	ssyncset.done $0x0  }
0x13b: {  	[sflag:s0] =	ssyncadd.s32 $0xFFFF8800  }
0x13c: {  	_ =	sfence.sel $0x180000  }
0x13d: {  	[bflag:$0x0] =	sbarrier.arrive $0xFFFF  }
0x13e: {  	_ =	strace $0x90000047  }
0x13f: {  	s0 =	stileid.u32;
	[bflag:$0x2] =	sbarrier.arrive $0xFFFF  }
0x140: {  	p0 =	sne.s32 s0, $0x0;
	s0 =	rddreg [dreg:$0x1]  }
0x141: {  	s0 =	sadd.s32 @!p0 $0x100000, s0  }
0x142: {  	[sflag:s0] =	ssyncadd.tile.s32 @!p0 $0x1;
	_ =	shalt  }
.Lfunc_end2:
_tile_overlayer_lowered:
.L_overlay_start_2:
0x143: {  	(tag) =	ssettag $0x2  }
0x144: {  	s0 =	rddreg [dreg:$0x0];
	s2 =	stileid.u32  }
0x145: {  	s1 =	rddreg [dreg:$0x1];
	p0 =	sne.s32 s2, $0x0  }
0x146: {  	s3 =	rddreg [dreg:$0x2];
	[bflag:$0x3] =	sbarrier.arrive $0xFFFF;
	s2 =	simm.s32 @!p0 $0x1C05  }
0x147: {  	[timem:s3], [sflag:s2] =	dma.local @!p0 [hbm:s0], s1  }
0x148: {  	s0 =	simm.s32 @!p0 $0x5  }
0x149: {  	_ =	swait.ge @!p0 [sflag:s0], s1  }
0x14a: {  	s1 =	ssub.s32 @!p0 $0x0, s1;
	[sflag:s0] =	ssyncset.done @!p0 $0x0  }
0x14b: {  	[sflag:s0] =	ssyncadd.s32 @!p0 s1  }
0x14c: {  	[bflag:$0x3] =	sbarrier.arrive $0xFFFF  }
0x14d: {  	_ =	shalt  }

// kernel: kernel.7.cloned.1.call-start
scs
__scs_entry_jumppad:
0x0: {  	(pc) =	sbr.rel $0x88, $3  }
0x1: {  	(tag) =	ssettag $0x0;
	lr =	simm.s32 $0x1  }
0x2: {  	[smem:$0x3F90] =	sst lr;
	_ =	strace $0xD0000000  }
0x3: {  	_ = 	snop  }
0x4: {  	_ = 	snop  }
0x5: {  	_ = 	snop  }
0x6: {  	_ = 	snop  }
0x7: {  	_ = 	snop  }
__scs_overlays_trampoline_lowered:
0x8: {  	[smem:$0x3F9F] =	sst s0  }
0x9: {  	[smem:$0x3FA0] =	sst s1  }
0xa: {  	[smem:$0x3FA1] =	sst s2  }
0xb: {  	[smem:$0x3FA2] =	sst s3  }
0xc: {  	[smem:$0x3FA3] =	sst s4  }
0xd: {  	[smem:$0x3FA4] =	sst s5  }
0xe: {  	[smem:$0x3FA5] =	sst s6  }
0xf: {  	[smem:$0x3FA6] =	sst s7  }
0x10: {  	[smem:$0x3FA7] =	sst s8  }
0x11: {  	[smem:$0x3FA8] =	sst s9;
	s0 =	simm.s32 @!p0 $0x0  }
0x12: {  	s1 =	sld [smem:$0x3F8E];
	s0 =	simm.s32 @p0 $0x1  }
0x13: {  	[smem:$0x3FA9] =	sst s0;
	s0 =	simm.s32 @!p1 $0x0  }
0x14: {  	s2 =	sld [smem:$0x3F8D];
	s0 =	simm.s32 @p1 $0x1  }
0x15: {  	[smem:$0x3FAA] =	sst s0;
	s0 =	simm.s32 @!p2 $0x0  }
0x16: {  	s3 =	sld [smem:$0x3FDB];
	s0 =	simm.s32 @p2 $0x1  }
0x17: {  	s4 =	simm.s32 $0x1BF5;
	[smem:$0x3FAC] =	sst s0  }
0x18: {  	s0 =	sld [smem:$0x3F8F];
	_ =	swait.ge [sflag:s4], $0x0  }
0x19: {  	s7 =	sld [smem:$0x3F90]  }
0x1a: {  	s8 =	sadd.s32 $0xFFFFE003, lr  }
0x1b: {  	s9 =	sadd.s32 $0xFFFFFEF7, lr;
	s5 =	simm.s32 $0xFFFFFFFF;
	p2 =	slt.u32 s8, $0xFFFFF086  }
0x1c: {  	p1 =	slt.u32 s9, $0xF7A;
	s5 =	simm.s32 @!p2 $0x0  }
0x1d: {  	s5 =	simm.s32 @p1 $0x1;
	p0 =	seq.s32 s7, s2  }
0x1e: {  	s7 =	smul.u32 @!p0 $0xF7A, s2;
	p2 =	seq.s32 @!p0 s5, $0x0  }
0x1f: {  	s9 =	smul.u32 $0xF7A, s1;
	s8 =	simm.s32 @!p0 $0x1BF5;
	p2 =	por !p2, p0  }
0x20: {  	[sflag:s8] =	ssyncset.s32 @!p0 $0xFFFFF086;
	s6 =	sadd.s32 @!p0 s3, s7;
	s7 =	simm.s32 @!p0 $0x108  }
0x21: {  	s3 =	sadd.s32 s3, s9;
	s6 =	sadd.s32 @!p0 $0x88, s6;
	s7 =	simm.s32 @p2 $0x1082  }
0x22: {  	[simem:s7], [sflag:s8] =	dma.local @!p0 [hbm:s6], $0xF7A  }
0x23: {  	s9 =	sor.u32 $0xD0000000, s2;
	s6 =	simm.s32 $0x108;
	_ =	swait.ge @!p0 [sflag:s8], $0x0  }
0x24: {  	s3 =	sadd.s32 $0x88, s3;
	s6 =	simm.s32 @!p1 $0x1082;
	[sflag:s4] =	ssyncset.s32 $0xFFFFF086  }
0x25: {  	[simem:s6], [sflag:s4] =	dma.local [hbm:s3], $0xF7A  }
0x26: {  	[smem:$0x3F90] =	sst s1;
	(tag) =	ssettag s2;
	_ =	strace s9  }
0x27: {  	s1 =	sld [smem:$0x3FA0]  }
0x28: {  	s2 =	sld [smem:$0x3FA1]  }
0x29: {  	s4 =	sld [smem:$0x3FA3]  }
0x2a: {  	p0 =	seq.s32 s5, $0x0;
	s5 =	sld [smem:$0x3FA4]  }
0x2b: {  	s6 =	sld [smem:$0x3FA5]  }
0x2c: {  	s7 =	sld [smem:$0x3FA6]  }
0x2d: {  	s3 =	simm.s32 $0x108;
	s8 =	sld [smem:$0x3FA7]  }
0x2e: {  	s3 =	simm.s32 @!p0 $0x1082;
	s9 =	sld [smem:$0x3FA8]  }
0x2f: {  	lr =	sadd.s32 s0, s3;
	s0 =	sld [smem:$0x3F9F]  }
0x30: {  	s3 =	sld [smem:$0x3FA2]  }
0x31: {  	[smem:$0x3FAB] =	sst s10  }
0x32: {  	s10 =	sld [smem:$0x3FA9];
	_ =	sdelay $0x3  }
0x33: {  	p0 =	seq.s32 s10, $0x1;
	s10 =	sld [smem:$0x3FAB];
	_ =	sdelay $0x3  }
0x34: {  	[smem:$0x3FAB] =	sst s10  }
0x35: {  	s10 =	sld [smem:$0x3FAA];
	_ =	sdelay $0x3  }
0x36: {  	p1 =	seq.s32 s10, $0x1;
	s10 =	sld [smem:$0x3FAB];
	_ =	sdelay $0x3  }
0x37: {  	[smem:$0x3FAB] =	sst s10  }
0x38: {  	s10 =	sld [smem:$0x3FAC]  }
0x39: {  	_ = 	snop;
	(pc) =	sbr.ind lr, $3  }
0x3a: {  	_ = 	snop  }
0x3b: {  	_ = 	snop  }
0x3c: {  	p2 =	seq.s32 s10, $0x1;
	s10 =	sld [smem:$0x3FAB]  }
0x3d: {  	_ =	shalt  }
0x3e: {  	_ =	shalt  }
0x3f: {  	_ =	shalt  }
0x40: {  	_ =	shalt  }
0x41: {  	_ =	shalt  }
0x42: {  	_ =	shalt  }
0x43: {  	_ =	shalt  }
0x44: {  	_ =	shalt  }
0x45: {  	_ =	shalt  }
0x46: {  	_ =	shalt  }
0x47: {  	_ =	shalt  }
0x48: {  	_ =	shalt  }
0x49: {  	_ =	shalt  }
0x4a: {  	_ =	shalt  }
0x4b: {  	_ =	shalt  }
0x4c: {  	_ =	shalt  }
0x4d: {  	_ =	shalt  }
0x4e: {  	_ =	shalt  }
0x4f: {  	_ =	shalt  }
0x50: {  	_ =	shalt  }
0x51: {  	_ =	shalt  }
0x52: {  	_ =	shalt  }
0x53: {  	_ =	shalt  }
0x54: {  	_ =	shalt  }
0x55: {  	_ =	shalt  }
0x56: {  	_ =	shalt  }
0x57: {  	_ =	shalt  }
0x58: {  	_ =	shalt  }
0x59: {  	_ =	shalt  }
0x5a: {  	_ =	shalt  }
0x5b: {  	_ =	shalt  }
0x5c: {  	_ =	shalt  }
0x5d: {  	_ =	shalt  }
0x5e: {  	_ =	shalt  }
0x5f: {  	_ =	shalt  }
0x60: {  	_ =	shalt  }
0x61: {  	_ =	shalt  }
0x62: {  	_ =	shalt  }
0x63: {  	_ =	shalt  }
0x64: {  	_ =	shalt  }
0x65: {  	_ =	shalt  }
0x66: {  	_ =	shalt  }
0x67: {  	_ =	shalt  }
0x68: {  	_ =	shalt  }
0x69: {  	_ =	shalt  }
0x6a: {  	_ =	shalt  }
0x6b: {  	_ =	shalt  }
0x6c: {  	_ =	shalt  }
0x6d: {  	_ =	shalt  }
0x6e: {  	_ =	shalt  }
0x6f: {  	_ =	shalt  }
0x70: {  	_ =	shalt  }
0x71: {  	_ =	shalt  }
0x72: {  	_ =	shalt  }
0x73: {  	_ =	shalt  }
0x74: {  	_ =	shalt  }
0x75: {  	_ =	shalt  }
0x76: {  	_ =	shalt  }
0x77: {  	_ =	shalt  }
0x78: {  	_ =	shalt  }
0x79: {  	_ =	shalt  }
0x7a: {  	_ =	shalt  }
0x7b: {  	_ =	shalt  }
0x7c: {  	_ =	shalt  }
0x7d: {  	_ =	shalt  }
0x7e: {  	_ =	shalt  }
0x7f: {  	_ =	shalt  }
0x80: {  	_ =	shalt  }
0x81: {  	_ =	shalt  }
0x82: {  	_ =	shalt  }
0x83: {  	_ =	shalt  }
0x84: {  	_ =	shalt  }
0x85: {  	_ =	shalt  }
0x86: {  	_ =	shalt  }
0x87: {  	_ =	shalt  }
.Lfunc_end0:
.L_simem_size_0:
called_computation_lowered:
.L_overlay_start_0:
0x88: {  	s2 =	sld [smem:$0x3FD9]  }
0x89: {  	s3 =	sld [smem:$0x3FFE];
	_ =	sdelay $0x1  }
0x8a: {  	s1 =	srdreg.scid  }
0x8b: {  	s0 =	sand.u32 $0x1, s1  }
0x8c: {  	s17 =	sshll.u32 s0, $0xA;
	s2 =	sadd.s32 s3, s2  }
0x8d: {  	s2 =	sadd.s32 s2, s17  }
0x8e: {  	[smem:$0x3FB7] =	sst s2  }
0x8f: {  	_ = 	snop  }
0x90: {  	(tm) =	ssettm $0x1  }
0x91: {  	s18 =	sld [smem:$0x3FFB];
	_ =	sdelay $0x3  }
0x92: {  	_ =	strace s18  }
0x93: {  	s2 =	sld [smem:$0x3FFC];
	_ =	sdelay $0x3  }
0x94: {  	_ =	strace s2  }
0x95: {  	s2 =	sld [smem:$0x3FFD];
	_ =	sdelay $0x3  }
0x96: {  	_ =	strace s2  }
0x97: {  	_ =	strace $0x8FFFFFFF  }
0x98: {  	s19 =	sld [smem:$0x3FDB];
	_ =	sdelay $0x1  }
0x99: {  	s20 =	simm.s32 $_scs_section_size  }
0x9a: {  	s4 =	simm.s32 $_size__tile_overlayer_lowered;
	s5 =	simm.s32 $_tile_overlayer_lowered  }
0x9b: {  	s6 =	simm.s32 $0x1BFF;
	s21 =	sshll.u32 s5, $0x1;
	s3 =	sadd.s32 s20, s19  }
0x9c: {  	s22 =	simm.s32 $0x0;
	s4 =	sshll.u32 s4, $0x1;
	s5 =	sadd.s32 s21, s3  }
0x9d: {  	[timem:s22], [sflag:s6] =	dma.local [hbm:s5], s4  }
0x9e: {  	_ =	swait.ge [sflag:s6], s4  }
0x9f: {  	s4 =	ssub.s32 $0x0, s4;
	[sflag:s6] =	ssyncset.done $0x0  }
0xa0: {  	[sflag:s6] =	ssyncadd.s32 s4;
	_ =	sdelay $0x1  }
0xa1: {  	s23 =	simm.s32 $0x1B8B  }
0xa2: {  	_ =	swait.ge [sflag:s23], $0x1  }
0xa3: {  	[sflag:s23] =	ssyncset.done $0x0  }
0xa4: {  	[sflag:s23] =	ssyncadd.s32 $0xFFFFFFFF  }
0xa5: {  	s4 =	sld [smem:$0x0]  }
0xa6: {  	s5 =	sand.u32 $0xFFFFFFFE, s1  }
0xa7: {  	p0 =	sne.s32 s1, s5  }
0xa8: {  	s5 =	sshll.u32 @p0 s5, $0xE  }
0xa9: {  	s5 =	sadd.s32 @p0 $0x11B8D, s5;
	s6 =	sshll.u32 @p0 s4, $0x11  }
0xaa: {  	s5 =	sor.u32 @p0 s6, s5  }
0xab: {  	[sflag:s5] =	ssyncadd.remote.s32 @p0 $0x1;
	_ =	sdelay $0x1  }
0xac: {  	s5 =	simm.s32 @p0 $0x1B8D  }
0xad: {  	_ =	swait.eq @p0 [sflag:s5], $0x1  }
0xae: {  	[sflag:s5] =	ssyncadd.s32 @p0 $0xFFFFFFFF  }
0xaf: {  	s6 =	sshll.u32 @!p0 s1, $0xE  }
0xb0: {  	s6 =	sor.u32 @!p0 $0x4000, s6;
	s5 =	simm.s32 @!p0 $0x1B8D  }
0xb1: {  	s4 =	sshll.u32 @!p0 s4, $0x11;
	s6 =	sadd.s32 @!p0 $0x11B8D, s6;
	_ =	swait.eq @!p0 [sflag:s5], $0x1  }
0xb2: {  	s4 =	sor.u32 @!p0 s4, s6;
	[sflag:s5] =	ssyncadd.s32 @!p0 $0xFFFFFFFF  }
0xb3: {  	s25 =	simm.s32 $0x1B8E;
	s24 =	sld [smem:$0x3FFE];
	[sflag:s4] =	ssyncadd.remote.s32 @!p0 $0x1  }
0xb4: {  	s26 =	simm.s32 $execute0_lowered;
	[smem:$0x3FD2] =	sst s25  }
0xb5: {  	s5 =	sshll.u32 s26, $0x1;
	_ =	strace $0x80000049;
	[dreg:$0x1] =	wrdreg $0xFFFFFFFF  }
0xb6: {  	s28 =	simm.s32 $_size_execute0_lowered;
	s3 =	sadd.s32 s3, s5;
	[dreg:$0x0] =	wrdreg $0x0  }
0xb7: {  	s5 =	sshll.u32 s28, $0x1;
	[dreg:$0x2] =	wrdreg s3  }
0xb8: {  	[dreg:$0x3] =	wrdreg s5  }
0xb9: {  	[dreg:$0x4] =	wrdreg $0xC0  }
0xba: {  	_ =	task [dreg:s22], $0x5FFFF  }
0xbb: {  	[dreg:$0x1] =	wrdreg $0xFFFFFFFF  }
0xbc: {  	[dreg:$0x0] =	wrdreg $0x60  }
0xbd: {  	[dreg:$0x2] =	wrdreg s24  }
0xbe: {  	[dreg:$0x3] =	wrdreg $0x9  }
0xbf: {  	_ =	task.clear_ibuf [dreg:s22], $0x4FFFF;
	_ =	strace $0x90000049  }
0xc0: {  	s29 =	simm.s32 $0x9;
	_ =	strace $0x8000004B  }
0xc1: {  	_ =	swait.ge [sflag:s29], $0x1  }
0xc2: {  	[sflag:s29] =	ssyncadd.s32 $0xFFFFFFFF  }
0xc3: {  	_ =	strace $0x9000004B  }
0xc4: {  	_ =	sfence  }
0xc5: {  	s30 =	sld [smem:$0x0];
	_ =	sdelay $0x2  }
0xc6: {  	s31 =	sshll.u32 s1, $0xD;
	s1 =	sshrl.u32 s1, $0x2  }
0xc7: {  	s4 =	sand.u32 $0x4000, s31;
	s1 =	sadd.s32 s1, s30  }
0xc8: {  	s0 =	sor.u32 s4, s0;
	s1 =	sshll.u32 s1, $0x11  }
0xc9: {  	s0 =	sor.u32 s1, s0  }
0xca: {  	s0 =	sadd.s32 $0x8F2B, s0  }
0xcb: {  	[sflag:s0] =	ssyncadd.remote.s32 $0x1  }
0xcc: {  	_ =	sfence.sel $0xFFFF  }
0xcd: {  	[dreg:$0x0] =	wrdreg $0xFFFFFFFF;
	(pc) =	sbr.abs _section_cstart, $3  }
0xce: {  	[dreg:$0x1] =	wrdreg $0xFFFFFFFF  }
0xcf: {  	_ =	task.clear_ibuf [dreg:s22], $0x2FFFF;
	_ =	strace $0x9FFFFFFF  }
0xd0: {  	(tm) =	ssettm $0x7FFFFFFF  }
0xd1: {  	_ =	shalt  }
tec
execute0_lowered:
.L_overlay_start_1:
0x0: {  	(tag) =	ssettag $0x1  }
0x1: {  	s0 =	srdreg.scid;
	s7 =	stileid.u32  }
0x2: {  	s5 =	rddreg [dreg:$0x0];
	s6 =	simm.s32 $0x1;
	s2 =	simm.s32 $0x0  }
0x3: {  	s8 =	simm.s32 $0xBB8;
	s11 =	simm.s32 $0xD400;
	[smem:$0x7FF] =	sst s2  }
0x4: {  	s13 =	simm.s32 $0xD800;
	_ =	strace $0x8000004A;
	[dreg:$0x6] =	wrdreg s11  }
0x5: {  	s14 =	simm.s32 $0xE000;
	s15 =	simm.s32 $0xE400;
	[dreg:$0x7] =	wrdreg s13  }
0x6: {  	s16 =	simm.s32 $0xEC00;
	s17 =	simm.s32 $0xF000;
	[dreg:$0x8] =	wrdreg s14  }
0x7: {  	s18 =	simm.s32 $0xF800;
	s19 =	simm.s32 $0xFC00;
	[dreg:$0x9] =	wrdreg s15  }
0x8: {  	s20 =	simm.s32 $0x10400;
	s21 =	simm.s32 $0x10800;
	[dreg:$0xa] =	wrdreg s16  }
0x9: {  	s22 =	simm.s32 $0x11000;
	s23 =	simm.s32 $0x11400;
	[dreg:$0xb] =	wrdreg s17  }
0xa: {  	s28 =	simm.s32 $0x4800;
	s29 =	simm.s32 $0x5000;
	[dreg:$0xc] =	wrdreg s18  }
0xb: {  	s30 =	simm.s32 $0x5400;
	s31 =	simm.s32 $0x6000;
	[dreg:$0xd] =	wrdreg s19  }
0xc: {  	s0 =	sand.u32 $0x1, s0;
	s1 =	sshll.u32 s7, $0x1;
	[dreg:$0xe] =	wrdreg s20  }
0xd: {  	s3 =	smul.u32 $0x1770, s7;
	s9 =	sadd.s32 $0x391E00, s5;
	[dreg:$0xf] =	wrdreg s21  }
0xe: {  	s1 =	sor.u32 s0, s1;
	p0 =	seq.s32 s0, $0x1;
	[dreg:$0x10] =	wrdreg s22  }
0xf: {  	s4 =	smul.u32 $0xBB8, s0;
	s0 =	ssub.s32 $0x2, s0;
	[dreg:$0x11] =	wrdreg s23  }
0x10: {  	s19 =	simm.s32 $0x1400;
	s20 =	simm.s32 $0x1800;
	s18 =	simm.s32 $0x2000  }
0x11: {  	s21 =	simm.s32 $0x2400;
	s22 =	simm.s32 $0x2C00;
	s11 =	simm.s32 $0x14C00  }
0x12: {  	s23 =	simm.s32 $0x3000;
	s13 =	simm.s32 $0x15800;
	[dreg:$0x1a] =	wrdreg s11  }
0x13: {  	s14 =	simm.s32 $0x15C00;
	s15 =	simm.s32 $0x16400;
	[dreg:$0x1c] =	wrdreg s13  }
0x14: {  	s16 =	simm.s32 $0x16800;
	s17 =	simm.s32 $0x17000;
	[dreg:$0x1d] =	wrdreg s14  }
0x15: {  	p1 =	seq.s32 s1, $0x0;
	s8 =	simm.s32 @!p0 $0x0;
	[dreg:$0x1e] =	wrdreg s15  }
0x16: {  	s12 =	sshrl.u32 s0, $0x1;
	s1 =	smul.u32 $0xBB8, s1;
	[dreg:$0x1f] =	wrdreg s16  }
0x17: {  	[smem:$0x7FC] =	sst s17;
	s11 =	simm.s32 $0x8400;
	s13 =	simm.s32 $0x9000  }
0x18: {  	s14 =	simm.s32 $0xC000;
	s15 =	simm.s32 $0x2;
	s16 =	simm.s32 $0x3  }
0x19: {  	s17 =	simm.s32 $0x0;
	p1 =	por !p1, !p0;
	s4 =	sadd.s32 s4, s3  }
0x1a: {  	s3 =	sadd.s32 $0x2EA00, s5;
	s0 =	ssub.s32 s0, s12;
	s12 =	simm.s32 $0x15000  }
0x1b: {  	[smem:$0x7FD] =	sst s17;
	p1 =	por !p1, !p1;
	s25 =	sadd.s32 $0x78, s4  }
0x1c: {  	s4 =	sshrl.u32 s4, $0x3;
	s1 =	sshrl.u32 s1, $0x3;
	s0 =	smax.u32 s0, $0x1  }
0x1d: {  	[dreg:$0x1b] =	wrdreg s12;
	s12 =	simm.s32 $0x8C00;
	s10 =	smul.u32 $0x180, s4  }
0x1e: {  	s6 =	simm.s32 @!p1 $0x0;
	s4 =	simm.s32 $0x1;
	s1 =	smul.u32 $0x180, s1  }
0x1f: {  	[smem:$0x7FB] =	sst s0;
	s0 =	simm.s32 $0x6800;
	s24 =	ssub.s32 s7, s6  }
0x20: {  	s6 =	sshrl.u32 s25, $0x3;
	s25 =	simm.s32 $0x12000;
	s7 =	smul.u32 $0x2710, s24  }
0x21: {  	s6 =	smul.u32 $0x180, s6;
	s26 =	sadd.s32 s10, s9;
	[dreg:$0x13] =	wrdreg s25  }
0x22: {  	s10 =	simm.s32 $0xCC00;
	s1 =	sadd.s32 s9, s1;
	[dreg:$0x3] =	wrdreg s26  }
0x23: {  	s24 =	simm.s32 $0x11C00;
	s25 =	simm.s32 $0x3C00;
	[dreg:$0x5] =	wrdreg s10  }
0x24: {  	s1 =	sadd.s32 $0x21C00, s1;
	s10 =	simm.s32 $0xC00;
	[dreg:$0x12] =	wrdreg s24  }
0x25: {  	s26 =	simm.s32 $0x12800;
	s24 =	simm.s32 $0x3800;
	[smem:$0x7FA] =	sst s1  }
0x26: {  	s6 =	sadd.s32 s6, s9;
	s7 =	sadd.s32 s8, s7;
	[dreg:$0x14] =	wrdreg s26  }
0x27: {  	s8 =	simm.s32 $0xC800;
	s1 =	simm.s32 $0x12C00;
	[dreg:$0x2] =	wrdreg s6  }
0x28: {  	s9 =	simm.s32 $0x14400;
	s26 =	simm.s32 $0x4400;
	[dreg:$0x4] =	wrdreg s8  }
0x29: {  	s7 =	sshrl.u32 s7, $0x3;
	s6 =	sadd.s32 $0x2EB00, s5;
	[dreg:$0x15] =	wrdreg s1  }
0x2a: {  	s8 =	simm.s32 $0x14000;
	[dreg:$0x19] =	wrdreg s9;
	s1 =	simm.s32 $0x5C00  }
0x2b: {  	s7 =	sadd.s32 s7, s5;
	s5 =	simm.s32 $0x13400;
	[dreg:$0x18] =	wrdreg s8  }
0x2c: {  	v2 =	vlaneseq.u32;
	s9 =	simm.s32 $0x8000;
	s7 =	sadd.s32 $0x2800, s7;
	[dreg:$0x16] =	wrdreg s5  }
0x2d: {  	vm0 =	vmmov $0xffff;
	vm1 =	vmmov $0xff;
	v1 =	vshrl.u32 v2, $0x3;
	s8 =	simm.s32 $0x7800;
	[smem:$0x7F9] =	sst s7;
	s7 =	simm.s32 $0x13800  }
0x2e: {  	v0 =	vand.u32 $0x7, v2;
	v2 =	vor.u32 $0x8, v2;
	v1 =	vmul.u32 $0x8, v1;
	s5 =	simm.s32 $0x6C00;
	[dreg:$0x17] =	wrdreg s7;
	s7 =	simm.s32 $0x7400  }
.LBB2_1:
0x2f: {  	s17 =	sld [smem:$0x7F9];
	_ =	sdelay $0x2  }
0x30: {  	[tilespmem:s2], [sflag:$0x5] =	stream.linear.gather [hbm4b:s17+s2], $0xBB8, $0x38;
	[tilespmem:$0x17400] =	vst v63  }
0x31: {  	s17 =	simm.s32 $0x5  }
0x32: {  	_ =	swait.ge [sflag:s17], $0xBB8  }
0x33: {  	[sflag:s17] =	ssyncset.done $0x0  }
0x34: {  	[sflag:s17] =	ssyncadd.s32 $0xFFFFF448  }
0x35: {  	v3 =	vld [tilespmem:$0x0];
	_ =	sdelay $0x4  }
0x36: {  	v4 =	vshrl.u32 v3, $0x3  }
0x37: {  	v4 =	vmul.u32 $0x18, v4  }
0x38: {  	v3 =	vand.u32 $0x7, v3  }
0x39: {  	v3 =	vor.u32 v3, v4  }
0x3a: {  	v4 =	vperm.xlane v3, v0;
	_ =	sdelay $0x1  }
0x3b: {  	v4 =	vadd.s32 v1, v4;
	_ =	sdelay $0x1  }
0x3c: {  	v3 =	vperm.xlane v3, v2;
	_ =	sdelay $0x1  }
0x3d: {  	v3 =	vadd.s32 v1, v3  }
0x3e: {  	[tilespmem:s10], [sflag:$0x1] =	stream.indirect_vreg.gather [hbm4b:s3+s2], $0x80, v4, vm0, $0xb8;
	[tilespmem:$0x17400] =	vst v63  }
0x3f: {  	_ = 	snop  }
0x40: {  	[tilespmem:s19], [sflag:$0x1] =	stream.indirect_vreg.gather [hbm4b:s6+s2], $0x80, v4, vm1, $0xb8;
	[tilespmem:$0x17400] =	vst v63  }
0x41: {  	_ = 	snop  }
0x42: {  	[tilespmem:s20], [sflag:$0x1] =	stream.indirect_vreg.gather [hbm4b:s3+s2], $0x80, v3, vm0, $0xb8;
	[tilespmem:$0x17400] =	vst v63  }
0x43: {  	_ = 	snop  }
0x44: {  	[tilespmem:s18], [sflag:$0x1] =	stream.indirect_vreg.gather [hbm4b:s6+s2], $0x80, v3, vm1, $0xb8;
	[tilespmem:$0x17400] =	vst v63  }
0x45: {  	v3 =	vld [tilespmem:$0x10];
	_ =	sdelay $0x4  }
0x46: {  	v57 =	vshrl.u32 v3, $0x3  }
0x47: {  	v4 =	vmul.u32 $0x18, v57  }
0x48: {  	v3 =	vand.u32 $0x7, v3  }
0x49: {  	v3 =	vor.u32 v3, v4  }
0x4a: {  	v4 =	vperm.xlane v3, v0;
	_ =	sdelay $0x1  }
0x4b: {  	v4 =	vadd.s32 v1, v4;
	_ =	sdelay $0x1  }
0x4c: {  	v3 =	vperm.xlane v3, v2;
	_ =	sdelay $0x1  }
0x4d: {  	v3 =	vadd.s32 v1, v3  }
0x4e: {  	[tilespmem:s21], [sflag:$0x1] =	stream.indirect_vreg.gather [hbm4b:s3+s2], $0x80, v4, vm0, $0xb8;
	[tilespmem:$0x17400] =	vst v63  }
0x4f: {  	_ = 	snop  }
0x50: {  	[tilespmem:s22], [sflag:$0x1] =	stream.indirect_vreg.gather [hbm4b:s6+s2], $0x80, v4, vm1, $0xb8;
	[tilespmem:$0x17400] =	vst v63  }
0x51: {  	_ = 	snop  }
0x52: {  	[tilespmem:s23], [sflag:$0x1] =	stream.indirect_vreg.gather [hbm4b:s3+s2], $0x80, v3, vm0, $0xb8;
	[tilespmem:$0x17400] =	vst v63  }
0x53: {  	_ = 	snop  }
0x54: {  	[tilespmem:s24], [sflag:$0x1] =	stream.indirect_vreg.gather [hbm4b:s6+s2], $0x80, v3, vm1, $0xb8;
	[tilespmem:$0x17400] =	vst v63  }
0x55: {  	v3 =	vld [tilespmem:$0x20];
	_ =	sdelay $0x4  }
0x56: {  	v58 =	vshrl.u32 v3, $0x3  }
0x57: {  	v4 =	vmul.u32 $0x18, v58  }
0x58: {  	v3 =	vand.u32 $0x7, v3  }
0x59: {  	v3 =	vor.u32 v3, v4  }
0x5a: {  	v4 =	vperm.xlane v3, v0;
	_ =	sdelay $0x1  }
0x5b: {  	v4 =	vadd.s32 v1, v4;
	_ =	sdelay $0x1  }
0x5c: {  	v3 =	vperm.xlane v3, v2;
	_ =	sdelay $0x1  }
0x5d: {  	v3 =	vadd.s32 v1, v3  }
0x5e: {  	[tilespmem:s25], [sflag:$0x1] =	stream.indirect_vreg.gather [hbm4b:s3+s2], $0x80, v4, vm0, $0xb8;
	[tilespmem:$0x17400] =	vst v63  }
0x5f: {  	_ = 	snop  }
0x60: {  	[tilespmem:s26], [sflag:$0x1] =	stream.indirect_vreg.gather [hbm4b:s6+s2], $0x80, v4, vm1, $0xb8;
	[tilespmem:$0x17400] =	vst v63  }
0x61: {  	_ = 	snop  }
0x62: {  	[tilespmem:s28], [sflag:$0x1] =	stream.indirect_vreg.gather [hbm4b:s3+s2], $0x80, v3, vm0, $0xb8;
	[tilespmem:$0x17400] =	vst v63  }
0x63: {  	_ = 	snop  }
0x64: {  	[tilespmem:s29], [sflag:$0x1] =	stream.indirect_vreg.gather [hbm4b:s6+s2], $0x80, v3, vm1, $0xb8;
	[tilespmem:$0x17400] =	vst v63  }
0x65: {  	v3 =	vld [tilespmem:$0x30];
	_ =	sdelay $0x4  }
0x66: {  	v59 =	vshrl.u32 v3, $0x3  }
0x67: {  	v4 =	vmul.u32 $0x18, v59  }
0x68: {  	v3 =	vand.u32 $0x7, v3  }
0x69: {  	v3 =	vor.u32 v3, v4  }
0x6a: {  	v4 =	vperm.xlane v3, v0;
	_ =	sdelay $0x1  }
0x6b: {  	v4 =	vadd.s32 v1, v4;
	_ =	sdelay $0x1  }
0x6c: {  	v3 =	vperm.xlane v3, v2;
	_ =	sdelay $0x1  }
0x6d: {  	v3 =	vadd.s32 v1, v3  }
0x6e: {  	[tilespmem:s30], [sflag:$0x1] =	stream.indirect_vreg.gather [hbm4b:s3+s2], $0x80, v4, vm0, $0xb8;
	[tilespmem:$0x17400] =	vst v63  }
0x6f: {  	_ = 	snop  }
0x70: {  	[tilespmem:s1], [sflag:$0x1] =	stream.indirect_vreg.gather [hbm4b:s6+s2], $0x80, v4, vm1, $0xb8;
	[tilespmem:$0x17400] =	vst v63  }
0x71: {  	_ = 	snop  }
0x72: {  	[tilespmem:s31], [sflag:$0x1] =	stream.indirect_vreg.gather [hbm4b:s3+s2], $0x80, v3, vm0, $0xb8;
	[tilespmem:$0x17400] =	vst v63  }
0x73: {  	_ = 	snop  }
0x74: {  	[tilespmem:s0], [sflag:$0x1] =	stream.indirect_vreg.gather [hbm4b:s6+s2], $0x80, v3, vm1, $0xb8;
	[tilespmem:$0x17400] =	vst v63  }
0x75: {  	v3 =	vld [tilespmem:$0x40];
	_ =	sdelay $0x4  }
0x76: {  	v60 =	vshrl.u32 v3, $0x3  }
0x77: {  	v4 =	vmul.u32 $0x18, v60  }
0x78: {  	v3 =	vand.u32 $0x7, v3  }
0x79: {  	v3 =	vor.u32 v3, v4  }
0x7a: {  	v4 =	vperm.xlane v3, v0;
	_ =	sdelay $0x1  }
0x7b: {  	v4 =	vadd.s32 v1, v4;
	_ =	sdelay $0x1  }
0x7c: {  	v3 =	vperm.xlane v3, v2;
	_ =	sdelay $0x1  }
0x7d: {  	v3 =	vadd.s32 v1, v3  }
0x7e: {  	[tilespmem:s5], [sflag:$0x1] =	stream.indirect_vreg.gather [hbm4b:s3+s2], $0x80, v4, vm0, $0xb8;
	[tilespmem:$0x17400] =	vst v63  }
0x7f: {  	_ = 	snop  }
0x80: {  	[tilespmem:s7], [sflag:$0x1] =	stream.indirect_vreg.gather [hbm4b:s6+s2], $0x80, v4, vm1, $0xb8;
	[tilespmem:$0x17400] =	vst v63  }
0x81: {  	_ = 	snop  }
0x82: {  	[tilespmem:s8], [sflag:$0x1] =	stream.indirect_vreg.gather [hbm4b:s3+s2], $0x80, v3, vm0, $0xb8;
	[tilespmem:$0x17400] =	vst v63  }
0x83: {  	_ = 	snop  }
0x84: {  	[tilespmem:s9], [sflag:$0x1] =	stream.indirect_vreg.gather [hbm4b:s6+s2], $0x80, v3, vm1, $0xb8;
	[tilespmem:$0x17400] =	vst v63  }
0x85: {  	v3 =	vld [tilespmem:$0x50];
	_ =	sdelay $0x4  }
0x86: {  	v61 =	vshrl.u32 v3, $0x3  }
0x87: {  	v4 =	vmul.u32 $0x18, v61  }
0x88: {  	v3 =	vand.u32 $0x7, v3  }
0x89: {  	v3 =	vor.u32 v3, v4  }
0x8a: {  	v4 =	vperm.xlane v3, v0;
	_ =	sdelay $0x1  }
0x8b: {  	v4 =	vadd.s32 v1, v4;
	_ =	sdelay $0x1  }
0x8c: {  	v3 =	vperm.xlane v3, v2;
	_ =	sdelay $0x1  }
0x8d: {  	v3 =	vadd.s32 v1, v3  }
0x8e: {  	[tilespmem:s11], [sflag:$0x1] =	stream.indirect_vreg.gather [hbm4b:s3+s2], $0x80, v4, vm0, $0xb8;
	[tilespmem:$0x17400] =	vst v63  }
0x8f: {  	_ = 	snop  }
0x90: {  	[tilespmem:s12], [sflag:$0x1] =	stream.indirect_vreg.gather [hbm4b:s6+s2], $0x80, v4, vm1, $0xb8;
	[tilespmem:$0x17400] =	vst v63  }
0x91: {  	_ = 	snop  }
0x92: {  	[tilespmem:s13], [sflag:$0x1] =	stream.indirect_vreg.gather [hbm4b:s3+s2], $0x80, v3, vm0, $0xb8;
	[tilespmem:$0x17400] =	vst v63  }
0x93: {  	s23 =	simm.s32 $0x9800  }
0x94: {  	[tilespmem:s23], [sflag:$0x1] =	stream.indirect_vreg.gather [hbm4b:s6+s2], $0x80, v3, vm1, $0xb8;
	[tilespmem:$0x17400] =	vst v63  }
0x95: {  	v3 =	vld [tilespmem:$0x60];
	_ =	sdelay $0x4  }
0x96: {  	v62 =	vshrl.u32 v3, $0x3  }
0x97: {  	v4 =	vmul.u32 $0x18, v62  }
0x98: {  	v3 =	vand.u32 $0x7, v3  }
0x99: {  	v3 =	vor.u32 v3, v4  }
0x9a: {  	v4 =	vperm.xlane v3, v0;
	_ =	sdelay $0x1  }
0x9b: {  	v4 =	vadd.s32 v1, v4;
	_ =	sdelay $0x1  }
0x9c: {  	v3 =	vperm.xlane v3, v2;
	_ =	sdelay $0x1  }
0x9d: {  	s24 =	simm.s32 $0x9C00;
	v3 =	vadd.s32 v1, v3  }
0x9e: {  	[tilespmem:s24], [sflag:$0x1] =	stream.indirect_vreg.gather [hbm4b:s3+s2], $0x80, v4, vm0, $0xb8;
	[tilespmem:$0x17400] =	vst v63  }
0x9f: {  	s25 =	simm.s32 $0xA400  }
0xa0: {  	[tilespmem:s25], [sflag:$0x1] =	stream.indirect_vreg.gather [hbm4b:s6+s2], $0x80, v4, vm1, $0xb8;
	[tilespmem:$0x17400] =	vst v63  }
0xa1: {  	s26 =	simm.s32 $0xA800  }
0xa2: {  	[tilespmem:s26], [sflag:$0x1] =	stream.indirect_vreg.gather [hbm4b:s3+s2], $0x80, v3, vm0, $0xb8;
	[tilespmem:$0x17400] =	vst v63  }
0xa3: {  	s29 =	simm.s32 $0xB000  }
0xa4: {  	[tilespmem:s29], [sflag:$0x1] =	stream.indirect_vreg.gather [hbm4b:s6+s2], $0x80, v3, vm1, $0xb8;
	[tilespmem:$0x17400] =	vst v63  }
0xa5: {  	v3 =	vld.msk [tilespmem:$0x70], $0xff;
	_ =	sdelay $0x4  }
0xa6: {  	v63 =	vshrl.u32 v3, $0x3  }
0xa7: {  	v4 =	vmul.u32 $0x18, v63  }
0xa8: {  	v3 =	vand.u32 $0x7, v3  }
0xa9: {  	v3 =	vor.u32 v3, v4  }
0xaa: {  	v3 =	vperm.xlane v3, v0  }
0xab: {  	s17 =	simm.s32 $0xB8;
	s18 =	simm.s32 $0x0  }
0xac: {  	s21 =	simm.s32 $0x2000;
	s22 =	simm.s32 $0x9000;
	s28 =	simm.s32 $0x4400;
	v3 =	vadd.s32 v1, v3  }
0xad: {  	s30 =	simm.s32 $0x5000;
	s1 =	simm.s32 $0x5C00;
	s31 =	simm.s32 $0x5400  }
0xae: {  	s0 =	simm.s32 $0x6000;
	s5 =	simm.s32 $0x6800;
	s7 =	simm.s32 $0x6C00  }
0xaf: {  	s8 =	simm.s32 $0x7400;
	s9 =	simm.s32 $0x7800;
	s11 =	simm.s32 $0x8000  }
0xb0: {  	s12 =	simm.s32 $0x8400;
	s13 =	simm.s32 $0x8C00;
	s24 =	simm.s32 $0xB400  }
0xb1: {  	[tilespmem:s24], [sflag:$0x1] =	stream.indirect_vreg.gather [hbm4b:s3+s2], $0x80, v3, vm0, $0xb8;
	[tilespmem:$0x17400] =	vst v63  }
0xb2: {  	s23 =	simm.s32 $0x2C00;
	s25 =	simm.s32 $0x3800;
	s26 =	simm.s32 $0xBC00  }
0xb3: {  	[tilespmem:s26], [sflag:$0x1] =	stream.indirect_vreg.gather [hbm4b:s6+s2], $0x80, v3, vm1, $0xb8;
	[tilespmem:$0x17400] =	vst v63  }
.LBB2_2:
0xb4: {  	_ =	swait.ge [sflag:s4], $0xB400  }
0xb5: {  	s19 =	rddreg [dreg:$0x3];
	[sflag:s4] =	ssyncset.done $0x0  }
0xb6: {  	p0 =	seq.s32 s18, $0x0;
	[sflag:s4] =	ssyncadd.s32 $0xFFFF4C00;
	s19 =	sadd.s32 s18, s19  }
0xb7: {  	[hbm4b:s19+s2] =	stream.linear.scatter [tilespmem:s10], [sflag:$0x3], $0xB400, $0x38;
	[tilespmem:$0x17400] =	vst v63  }
0xb8: {  	s19 =	simm.s32 @!p0 $0x4  }
0xb9: {  	_ =	swait.ge @!p0 [sflag:s19], $0xB400  }
0xba: {  	[sflag:s19] =	ssyncset.done @!p0 $0x0  }
0xbb: {  	[sflag:s19] =	ssyncadd.s32 @!p0 $0xFFFF4C00  }
0xbc: {  	v3 =	vld [tilespmem:s17+$0xFFFFFFC0];
	_ =	sdelay $0x4  }
0xbd: {  	v4 =	vshrl.u32 v3, $0x3  }
0xbe: {  	v4 =	vmul.u32 $0x18, v4  }
0xbf: {  	v3 =	vand.u32 $0x7, v3  }
0xc0: {  	v3 =	vor.u32 v3, v4  }
0xc1: {  	v4 =	vperm.xlane v3, v0;
	_ =	sdelay $0x1  }
0xc2: {  	v4 =	vadd.s32 v1, v4;
	_ =	sdelay $0x1  }
0xc3: {  	v3 =	vperm.xlane v3, v2;
	_ =	sdelay $0x1  }
0xc4: {  	v3 =	vadd.s32 v1, v3  }
0xc5: {  	[tilespmem:s14], [sflag:$0x2] =	stream.indirect_vreg.gather [hbm4b:s3+s2], $0x80, v4, vm0, $0xb8;
	[tilespmem:$0x17400] =	vst v63  }
0xc6: {  	s29 =	rddreg [dreg:$0x4]  }
0xc7: {  	[tilespmem:s29], [sflag:$0x2] =	stream.indirect_vreg.gather [hbm4b:s6+s2], $0x80, v4, vm1, $0xb8;
	[tilespmem:$0x17400] =	vst v63  }
0xc8: {  	s20 =	rddreg [dreg:$0x5]  }
0xc9: {  	[tilespmem:s20], [sflag:$0x2] =	stream.indirect_vreg.gather [hbm4b:s3+s2], $0x80, v3, vm0, $0xb8;
	[tilespmem:$0x17400] =	vst v63  }
0xca: {  	s29 =	rddreg [dreg:$0x6]  }
0xcb: {  	[tilespmem:s29], [sflag:$0x2] =	stream.indirect_vreg.gather [hbm4b:s6+s2], $0x80, v3, vm1, $0xb8;
	[tilespmem:$0x17400] =	vst v63  }
0xcc: {  	v3 =	vld [tilespmem:s17+$0xFFFFFFD0];
	_ =	sdelay $0x4  }
0xcd: {  	v49 =	vshrl.u32 v3, $0x3  }
0xce: {  	v4 =	vmul.u32 $0x18, v49  }
0xcf: {  	v3 =	vand.u32 $0x7, v3  }
0xd0: {  	v3 =	vor.u32 v3, v4  }
0xd1: {  	v4 =	vperm.xlane v3, v0;
	_ =	sdelay $0x1  }
0xd2: {  	v4 =	vadd.s32 v1, v4;
	_ =	sdelay $0x1  }
0xd3: {  	v3 =	vperm.xlane v3, v2;
	_ =	sdelay $0x1  }
0xd4: {  	s20 =	rddreg [dreg:$0x7];
	v3 =	vadd.s32 v1, v3  }
0xd5: {  	[tilespmem:s20], [sflag:$0x2] =	stream.indirect_vreg.gather [hbm4b:s3+s2], $0x80, v4, vm0, $0xb8;
	[tilespmem:$0x17400] =	vst v63  }
0xd6: {  	s29 =	rddreg [dreg:$0x8]  }
0xd7: {  	[tilespmem:s29], [sflag:$0x2] =	stream.indirect_vreg.gather [hbm4b:s6+s2], $0x80, v4, vm1, $0xb8;
	[tilespmem:$0x17400] =	vst v63  }
0xd8: {  	s19 =	rddreg [dreg:$0x9]  }
0xd9: {  	[tilespmem:s19], [sflag:$0x2] =	stream.indirect_vreg.gather [hbm4b:s3+s2], $0x80, v3, vm0, $0xb8;
	[tilespmem:$0x17400] =	vst v63  }
0xda: {  	s29 =	rddreg [dreg:$0xa]  }
0xdb: {  	[tilespmem:s29], [sflag:$0x2] =	stream.indirect_vreg.gather [hbm4b:s6+s2], $0x80, v3, vm1, $0xb8;
	[tilespmem:$0x17400] =	vst v63  }
0xdc: {  	v3 =	vld [tilespmem:s17+$0xFFFFFFE0];
	_ =	sdelay $0x4  }
0xdd: {  	v50 =	vshrl.u32 v3, $0x3  }
0xde: {  	v4 =	vmul.u32 $0x18, v50  }
0xdf: {  	v3 =	vand.u32 $0x7, v3  }
0xe0: {  	v3 =	vor.u32 v3, v4  }
0xe1: {  	v4 =	vperm.xlane v3, v0;
	_ =	sdelay $0x1  }
0xe2: {  	v4 =	vadd.s32 v1, v4;
	_ =	sdelay $0x1  }
0xe3: {  	v3 =	vperm.xlane v3, v2;
	_ =	sdelay $0x1  }
0xe4: {  	s20 =	rddreg [dreg:$0xb];
	v3 =	vadd.s32 v1, v3  }
0xe5: {  	[tilespmem:s20], [sflag:$0x2] =	stream.indirect_vreg.gather [hbm4b:s3+s2], $0x80, v4, vm0, $0xb8;
	[tilespmem:$0x17400] =	vst v63  }
0xe6: {  	s29 =	rddreg [dreg:$0xc]  }
0xe7: {  	[tilespmem:s29], [sflag:$0x2] =	stream.indirect_vreg.gather [hbm4b:s6+s2], $0x80, v4, vm1, $0xb8;
	[tilespmem:$0x17400] =	vst v63  }
0xe8: {  	s19 =	rddreg [dreg:$0xd]  }
0xe9: {  	[tilespmem:s19], [sflag:$0x2] =	stream.indirect_vreg.gather [hbm4b:s3+s2], $0x80, v3, vm0, $0xb8;
	[tilespmem:$0x17400] =	vst v63  }
0xea: {  	s29 =	rddreg [dreg:$0xe]  }
0xeb: {  	[tilespmem:s29], [sflag:$0x2] =	stream.indirect_vreg.gather [hbm4b:s6+s2], $0x80, v3, vm1, $0xb8;
	[tilespmem:$0x17400] =	vst v63  }
0xec: {  	v3 =	vld [tilespmem:s17+$0xFFFFFFF0];
	_ =	sdelay $0x4  }
0xed: {  	v51 =	vshrl.u32 v3, $0x3  }
0xee: {  	v4 =	vmul.u32 $0x18, v51  }
0xef: {  	v3 =	vand.u32 $0x7, v3  }
0xf0: {  	v3 =	vor.u32 v3, v4  }
0xf1: {  	v4 =	vperm.xlane v3, v0;
	_ =	sdelay $0x1  }
0xf2: {  	v4 =	vadd.s32 v1, v4;
	_ =	sdelay $0x1  }
0xf3: {  	v3 =	vperm.xlane v3, v2;
	_ =	sdelay $0x1  }
0xf4: {  	s20 =	rddreg [dreg:$0xf];
	v3 =	vadd.s32 v1, v3  }
0xf5: {  	[tilespmem:s20], [sflag:$0x2] =	stream.indirect_vreg.gather [hbm4b:s3+s2], $0x80, v4, vm0, $0xb8;
	[tilespmem:$0x17400] =	vst v63  }
0xf6: {  	s29 =	rddreg [dreg:$0x10]  }
0xf7: {  	[tilespmem:s29], [sflag:$0x2] =	stream.indirect_vreg.gather [hbm4b:s6+s2], $0x80, v4, vm1, $0xb8;
	[tilespmem:$0x17400] =	vst v63  }
0xf8: {  	s19 =	rddreg [dreg:$0x11]  }
0xf9: {  	[tilespmem:s19], [sflag:$0x2] =	stream.indirect_vreg.gather [hbm4b:s3+s2], $0x80, v3, vm0, $0xb8;
	[tilespmem:$0x17400] =	vst v63  }
0xfa: {  	s29 =	rddreg [dreg:$0x12]  }
0xfb: {  	[tilespmem:s29], [sflag:$0x2] =	stream.indirect_vreg.gather [hbm4b:s6+s2], $0x80, v3, vm1, $0xb8;
	[tilespmem:$0x17400] =	vst v63  }
0xfc: {  	v3 =	vld [tilespmem:s17+$0x0];
	_ =	sdelay $0x4  }
0xfd: {  	v52 =	vshrl.u32 v3, $0x3  }
0xfe: {  	v4 =	vmul.u32 $0x18, v52  }
0xff: {  	v3 =	vand.u32 $0x7, v3  }
0x100: {  	v3 =	vor.u32 v3, v4  }
0x101: {  	v4 =	vperm.xlane v3, v0;
	_ =	sdelay $0x1  }
0x102: {  	v4 =	vadd.s32 v1, v4;
	_ =	sdelay $0x1  }
0x103: {  	v3 =	vperm.xlane v3, v2;
	_ =	sdelay $0x1  }
0x104: {  	s20 =	rddreg [dreg:$0x13];
	v3 =	vadd.s32 v1, v3  }
0x105: {  	[tilespmem:s20], [sflag:$0x2] =	stream.indirect_vreg.gather [hbm4b:s3+s2], $0x80, v4, vm0, $0xb8;
	[tilespmem:$0x17400] =	vst v63  }
0x106: {  	s29 =	rddreg [dreg:$0x14]  }
0x107: {  	[tilespmem:s29], [sflag:$0x2] =	stream.indirect_vreg.gather [hbm4b:s6+s2], $0x80, v4, vm1, $0xb8;
	[tilespmem:$0x17400] =	vst v63  }
0x108: {  	s19 =	rddreg [dreg:$0x15]  }
0x109: {  	[tilespmem:s19], [sflag:$0x2] =	stream.indirect_vreg.gather [hbm4b:s3+s2], $0x80, v3, vm0, $0xb8;
	[tilespmem:$0x17400] =	vst v63  }
0x10a: {  	s29 =	rddreg [dreg:$0x16]  }
0x10b: {  	[tilespmem:s29], [sflag:$0x2] =	stream.indirect_vreg.gather [hbm4b:s6+s2], $0x80, v3, vm1, $0xb8;
	[tilespmem:$0x17400] =	vst v63  }
0x10c: {  	v3 =	vld [tilespmem:s17+$0x10];
	_ =	sdelay $0x4  }
0x10d: {  	v53 =	vshrl.u32 v3, $0x3  }
0x10e: {  	v4 =	vmul.u32 $0x18, v53  }
0x10f: {  	v3 =	vand.u32 $0x7, v3  }
0x110: {  	v3 =	vor.u32 v3, v4  }
0x111: {  	v4 =	vperm.xlane v3, v0;
	_ =	sdelay $0x1  }
0x112: {  	v4 =	vadd.s32 v1, v4;
	_ =	sdelay $0x1  }
0x113: {  	v3 =	vperm.xlane v3, v2;
	_ =	sdelay $0x1  }
0x114: {  	s20 =	rddreg [dreg:$0x17];
	v3 =	vadd.s32 v1, v3  }
0x115: {  	[tilespmem:s20], [sflag:$0x2] =	stream.indirect_vreg.gather [hbm4b:s3+s2], $0x80, v4, vm0, $0xb8;
	[tilespmem:$0x17400] =	vst v63  }
0x116: {  	s29 =	rddreg [dreg:$0x18]  }
0x117: {  	[tilespmem:s29], [sflag:$0x2] =	stream.indirect_vreg.gather [hbm4b:s6+s2], $0x80, v4, vm1, $0xb8;
	[tilespmem:$0x17400] =	vst v63  }
0x118: {  	s19 =	rddreg [dreg:$0x19]  }
0x119: {  	[tilespmem:s19], [sflag:$0x2] =	stream.indirect_vreg.gather [hbm4b:s3+s2], $0x80, v3, vm0, $0xb8;
	[tilespmem:$0x17400] =	vst v63  }
0x11a: {  	s29 =	rddreg [dreg:$0x1a]  }
0x11b: {  	[tilespmem:s29], [sflag:$0x2] =	stream.indirect_vreg.gather [hbm4b:s6+s2], $0x80, v3, vm1, $0xb8;
	[tilespmem:$0x17400] =	vst v63  }
0x11c: {  	v3 =	vld [tilespmem:s17+$0x20];
	_ =	sdelay $0x4  }
0x11d: {  	v54 =	vshrl.u32 v3, $0x3  }
0x11e: {  	v4 =	vmul.u32 $0x18, v54  }
0x11f: {  	v3 =	vand.u32 $0x7, v3  }
0x120: {  	v3 =	vor.u32 v3, v4  }
0x121: {  	v4 =	vperm.xlane v3, v0;
	_ =	sdelay $0x1  }
0x122: {  	v4 =	vadd.s32 v1, v4;
	_ =	sdelay $0x1  }
0x123: {  	v3 =	vperm.xlane v3, v2;
	_ =	sdelay $0x1  }
0x124: {  	s20 =	rddreg [dreg:$0x1b];
	v3 =	vadd.s32 v1, v3  }
0x125: {  	[tilespmem:s20], [sflag:$0x2] =	stream.indirect_vreg.gather [hbm4b:s3+s2], $0x80, v4, vm0, $0xb8;
	[tilespmem:$0x17400] =	vst v63  }
0x126: {  	s29 =	rddreg [dreg:$0x1c]  }
0x127: {  	[tilespmem:s29], [sflag:$0x2] =	stream.indirect_vreg.gather [hbm4b:s6+s2], $0x80, v4, vm1, $0xb8;
	[tilespmem:$0x17400] =	vst v63  }
0x128: {  	s19 =	rddreg [dreg:$0x1d]  }
0x129: {  	[tilespmem:s19], [sflag:$0x2] =	stream.indirect_vreg.gather [hbm4b:s3+s2], $0x80, v3, vm0, $0xb8;
	[tilespmem:$0x17400] =	vst v63  }
0x12a: {  	s29 =	rddreg [dreg:$0x1e]  }
0x12b: {  	[tilespmem:s29], [sflag:$0x2] =	stream.indirect_vreg.gather [hbm4b:s6+s2], $0x80, v3, vm1, $0xb8;
	[tilespmem:$0x17400] =	vst v63  }
0x12c: {  	v3 =	vld.msk [tilespmem:s17+$0x30], $0xff;
	_ =	sdelay $0x4  }
0x12d: {  	v55 =	vshrl.u32 v3, $0x3  }
0x12e: {  	v4 =	vmul.u32 $0x18, v55  }
0x12f: {  	v3 =	vand.u32 $0x7, v3  }
0x130: {  	v3 =	vor.u32 v3, v4  }
0x131: {  	v3 =	vperm.xlane v3, v0;
	_ =	sdelay $0x1  }
0x132: {  	v3 =	vadd.s32 v1, v3;
	_ =	sdelay $0x2  }
0x133: {  	s20 =	rddreg [dreg:$0x1f]  }
0x134: {  	s29 =	sld [smem:$0x7FC]  }
0x135: {  	[tilespmem:s20], [sflag:$0x2] =	stream.indirect_vreg.gather [hbm4b:s3+s2], $0x80, v3, vm0, $0xb8;
	[tilespmem:$0x17400] =	vst v63  }
0x136: {  	_ = 	snop  }
0x137: {  	[tilespmem:s29], [sflag:$0x2] =	stream.indirect_vreg.gather [hbm4b:s6+s2], $0x80, v3, vm1, $0xb8;
	[tilespmem:$0x17400] =	vst v63  }
0x138: {  	_ =	swait.ge [sflag:s15], $0xB400  }
0x139: {  	s29 =	rddreg [dreg:$0x2];
	[sflag:s15] =	ssyncset.done $0x0  }
0x13a: {  	[sflag:s15] =	ssyncadd.s32 $0xFFFF4C00;
	s19 =	sadd.s32 s18, s29  }
0x13b: {  	[hbm4b:s19+s2] =	stream.linear.scatter [tilespmem:s14], [sflag:$0x4], $0xB400, $0x38;
	[tilespmem:$0x17400] =	vst v63  }
0x13c: {  	_ =	swait.ge [sflag:s16], $0xB400  }
0x13d: {  	[sflag:s16] =	ssyncset.done $0x0  }
0x13e: {  	[sflag:s16] =	ssyncadd.s32 $0xFFFF4C00  }
0x13f: {  	v3 =	vld [tilespmem:s17+$0x38];
	_ =	sdelay $0x4  }
0x140: {  	v56 =	vshrl.u32 v3, $0x3  }
0x141: {  	v4 =	vmul.u32 $0x18, v56  }
0x142: {  	v3 =	vand.u32 $0x7, v3  }
0x143: {  	v3 =	vor.u32 v3, v4  }
0x144: {  	v4 =	vperm.xlane v3, v0;
	_ =	sdelay $0x1  }
0x145: {  	v4 =	vadd.s32 v1, v4;
	_ =	sdelay $0x1  }
0x146: {  	v3 =	vperm.xlane v3, v2;
	_ =	sdelay $0x1  }
0x147: {  	v3 =	vadd.s32 v1, v3  }
0x148: {  	[tilespmem:s10], [sflag:$0x1] =	stream.indirect_vreg.gather [hbm4b:s3+s2], $0x80, v4, vm0, $0xb8;
	[tilespmem:$0x17400] =	vst v63  }
0x149: {  	s19 =	simm.s32 $0x1400  }
0x14a: {  	[tilespmem:s19], [sflag:$0x1] =	stream.indirect_vreg.gather [hbm4b:s6+s2], $0x80, v4, vm1, $0xb8;
	[tilespmem:$0x17400] =	vst v63  }
0x14b: {  	s20 =	simm.s32 $0x1800  }
0x14c: {  	[tilespmem:s20], [sflag:$0x1] =	stream.indirect_vreg.gather [hbm4b:s3+s2], $0x80, v3, vm0, $0xb8;
	[tilespmem:$0x17400] =	vst v63  }
0x14d: {  	_ = 	snop  }
0x14e: {  	[tilespmem:s21], [sflag:$0x1] =	stream.indirect_vreg.gather [hbm4b:s6+s2], $0x80, v3, vm1, $0xb8;
	[tilespmem:$0x17400] =	vst v63  }
0x14f: {  	v3 =	vld [tilespmem:s17+$0x48];
	_ =	sdelay $0x4  }
0x150: {  	v57 =	vshrl.u32 v3, $0x3  }
0x151: {  	v4 =	vmul.u32 $0x18, v57  }
0x152: {  	v3 =	vand.u32 $0x7, v3  }
0x153: {  	v3 =	vor.u32 v3, v4  }
0x154: {  	v4 =	vperm.xlane v3, v0;
	_ =	sdelay $0x1  }
0x155: {  	v4 =	vadd.s32 v1, v4;
	_ =	sdelay $0x1  }
0x156: {  	v3 =	vperm.xlane v3, v2;
	_ =	sdelay $0x1  }
0x157: {  	s29 =	simm.s32 $0x2400;
	v3 =	vadd.s32 v1, v3  }
0x158: {  	[tilespmem:s29], [sflag:$0x1] =	stream.indirect_vreg.gather [hbm4b:s3+s2], $0x80, v4, vm0, $0xb8;
	[tilespmem:$0x17400] =	vst v63  }
0x159: {  	_ = 	snop  }
0x15a: {  	[tilespmem:s23], [sflag:$0x1] =	stream.indirect_vreg.gather [hbm4b:s6+s2], $0x80, v4, vm1, $0xb8;
	[tilespmem:$0x17400] =	vst v63  }
0x15b: {  	s29 =	simm.s32 $0x3000  }
0x15c: {  	[tilespmem:s29], [sflag:$0x1] =	stream.indirect_vreg.gather [hbm4b:s3+s2], $0x80, v3, vm0, $0xb8;
	[tilespmem:$0x17400] =	vst v63  }
0x15d: {  	_ = 	snop  }
0x15e: {  	[tilespmem:s25], [sflag:$0x1] =	stream.indirect_vreg.gather [hbm4b:s6+s2], $0x80, v3, vm1, $0xb8;
	[tilespmem:$0x17400] =	vst v63  }
0x15f: {  	v3 =	vld [tilespmem:s17+$0x58];
	_ =	sdelay $0x4  }
0x160: {  	v58 =	vshrl.u32 v3, $0x3  }
0x161: {  	v4 =	vmul.u32 $0x18, v58  }
0x162: {  	v3 =	vand.u32 $0x7, v3  }
0x163: {  	v3 =	vor.u32 v3, v4  }
0x164: {  	v4 =	vperm.xlane v3, v0;
	_ =	sdelay $0x1  }
0x165: {  	v4 =	vadd.s32 v1, v4;
	_ =	sdelay $0x1  }
0x166: {  	v3 =	vperm.xlane v3, v2;
	_ =	sdelay $0x1  }
0x167: {  	s29 =	simm.s32 $0x3C00;
	v3 =	vadd.s32 v1, v3  }
0x168: {  	[tilespmem:s29], [sflag:$0x1] =	stream.indirect_vreg.gather [hbm4b:s3+s2], $0x80, v4, vm0, $0xb8;
	[tilespmem:$0x17400] =	vst v63  }
0x169: {  	_ = 	snop  }
0x16a: {  	[tilespmem:s28], [sflag:$0x1] =	stream.indirect_vreg.gather [hbm4b:s6+s2], $0x80, v4, vm1, $0xb8;
	[tilespmem:$0x17400] =	vst v63  }
0x16b: {  	s29 =	simm.s32 $0x4800  }
0x16c: {  	[tilespmem:s29], [sflag:$0x1] =	stream.indirect_vreg.gather [hbm4b:s3+s2], $0x80, v3, vm0, $0xb8;
	[tilespmem:$0x17400] =	vst v63  }
0x16d: {  	_ = 	snop  }
0x16e: {  	[tilespmem:s30], [sflag:$0x1] =	stream.indirect_vreg.gather [hbm4b:s6+s2], $0x80, v3, vm1, $0xb8;
	[tilespmem:$0x17400] =	vst v63  }
0x16f: {  	v3 =	vld [tilespmem:s17+$0x68];
	_ =	sdelay $0x4  }
0x170: {  	v59 =	vshrl.u32 v3, $0x3  }
0x171: {  	v4 =	vmul.u32 $0x18, v59  }
0x172: {  	v3 =	vand.u32 $0x7, v3  }
0x173: {  	v3 =	vor.u32 v3, v4  }
0x174: {  	v4 =	vperm.xlane v3, v0;
	_ =	sdelay $0x1  }
0x175: {  	v4 =	vadd.s32 v1, v4;
	_ =	sdelay $0x1  }
0x176: {  	v3 =	vperm.xlane v3, v2;
	_ =	sdelay $0x1  }
0x177: {  	v3 =	vadd.s32 v1, v3  }
0x178: {  	[tilespmem:s31], [sflag:$0x1] =	stream.indirect_vreg.gather [hbm4b:s3+s2], $0x80, v4, vm0, $0xb8;
	[tilespmem:$0x17400] =	vst v63  }
0x179: {  	_ = 	snop  }
0x17a: {  	[tilespmem:s1], [sflag:$0x1] =	stream.indirect_vreg.gather [hbm4b:s6+s2], $0x80, v4, vm1, $0xb8;
	[tilespmem:$0x17400] =	vst v63  }
0x17b: {  	_ = 	snop  }
0x17c: {  	[tilespmem:s0], [sflag:$0x1] =	stream.indirect_vreg.gather [hbm4b:s3+s2], $0x80, v3, vm0, $0xb8;
	[tilespmem:$0x17400] =	vst v63  }
0x17d: {  	_ = 	snop  }
0x17e: {  	[tilespmem:s5], [sflag:$0x1] =	stream.indirect_vreg.gather [hbm4b:s6+s2], $0x80, v3, vm1, $0xb8;
	[tilespmem:$0x17400] =	vst v63  }
0x17f: {  	v3 =	vld [tilespmem:s17+$0x78];
	_ =	sdelay $0x4  }
0x180: {  	v60 =	vshrl.u32 v3, $0x3  }
0x181: {  	v4 =	vmul.u32 $0x18, v60  }
0x182: {  	v3 =	vand.u32 $0x7, v3  }
0x183: {  	v3 =	vor.u32 v3, v4  }
0x184: {  	v4 =	vperm.xlane v3, v0;
	_ =	sdelay $0x1  }
0x185: {  	v4 =	vadd.s32 v1, v4;
	_ =	sdelay $0x1  }
0x186: {  	v3 =	vperm.xlane v3, v2;
	_ =	sdelay $0x1  }
0x187: {  	v3 =	vadd.s32 v1, v3  }
0x188: {  	[tilespmem:s7], [sflag:$0x1] =	stream.indirect_vreg.gather [hbm4b:s3+s2], $0x80, v4, vm0, $0xb8;
	[tilespmem:$0x17400] =	vst v63  }
0x189: {  	_ = 	snop  }
0x18a: {  	[tilespmem:s8], [sflag:$0x1] =	stream.indirect_vreg.gather [hbm4b:s6+s2], $0x80, v4, vm1, $0xb8;
	[tilespmem:$0x17400] =	vst v63  }
0x18b: {  	_ = 	snop  }
0x18c: {  	[tilespmem:s9], [sflag:$0x1] =	stream.indirect_vreg.gather [hbm4b:s3+s2], $0x80, v3, vm0, $0xb8;
	[tilespmem:$0x17400] =	vst v63  }
0x18d: {  	_ = 	snop  }
0x18e: {  	[tilespmem:s11], [sflag:$0x1] =	stream.indirect_vreg.gather [hbm4b:s6+s2], $0x80, v3, vm1, $0xb8;
	[tilespmem:$0x17400] =	vst v63  }
0x18f: {  	v3 =	vld [tilespmem:s17+$0x88];
	_ =	sdelay $0x4  }
0x190: {  	v61 =	vshrl.u32 v3, $0x3  }
0x191: {  	v4 =	vmul.u32 $0x18, v61  }
0x192: {  	v3 =	vand.u32 $0x7, v3  }
0x193: {  	v3 =	vor.u32 v3, v4  }
0x194: {  	v4 =	vperm.xlane v3, v0;
	_ =	sdelay $0x1  }
0x195: {  	v4 =	vadd.s32 v1, v4;
	_ =	sdelay $0x1  }
0x196: {  	v3 =	vperm.xlane v3, v2;
	_ =	sdelay $0x1  }
0x197: {  	v3 =	vadd.s32 v1, v3  }
0x198: {  	[tilespmem:s12], [sflag:$0x1] =	stream.indirect_vreg.gather [hbm4b:s3+s2], $0x80, v4, vm0, $0xb8;
	[tilespmem:$0x17400] =	vst v63  }
0x199: {  	_ = 	snop  }
0x19a: {  	[tilespmem:s13], [sflag:$0x1] =	stream.indirect_vreg.gather [hbm4b:s6+s2], $0x80, v4, vm1, $0xb8;
	[tilespmem:$0x17400] =	vst v63  }
0x19b: {  	_ = 	snop  }
0x19c: {  	[tilespmem:s22], [sflag:$0x1] =	stream.indirect_vreg.gather [hbm4b:s3+s2], $0x80, v3, vm0, $0xb8;
	[tilespmem:$0x17400] =	vst v63  }
0x19d: {  	s29 =	simm.s32 $0x9800  }
0x19e: {  	[tilespmem:s29], [sflag:$0x1] =	stream.indirect_vreg.gather [hbm4b:s6+s2], $0x80, v3, vm1, $0xb8;
	[tilespmem:$0x17400] =	vst v63  }
0x19f: {  	v3 =	vld [tilespmem:s17+$0x98];
	_ =	sdelay $0x4  }
0x1a0: {  	v62 =	vshrl.u32 v3, $0x3  }
0x1a1: {  	v4 =	vmul.u32 $0x18, v62  }
0x1a2: {  	v3 =	vand.u32 $0x7, v3  }
0x1a3: {  	v3 =	vor.u32 v3, v4  }
0x1a4: {  	v4 =	vperm.xlane v3, v0;
	_ =	sdelay $0x1  }
0x1a5: {  	v4 =	vadd.s32 v1, v4;
	_ =	sdelay $0x1  }
0x1a6: {  	v3 =	vperm.xlane v3, v2;
	_ =	sdelay $0x1  }
0x1a7: {  	s29 =	simm.s32 $0x9C00;
	v3 =	vadd.s32 v1, v3  }
0x1a8: {  	[tilespmem:s29], [sflag:$0x1] =	stream.indirect_vreg.gather [hbm4b:s3+s2], $0x80, v4, vm0, $0xb8;
	[tilespmem:$0x17400] =	vst v63  }
0x1a9: {  	s29 =	simm.s32 $0xA400  }
0x1aa: {  	[tilespmem:s29], [sflag:$0x1] =	stream.indirect_vreg.gather [hbm4b:s6+s2], $0x80, v4, vm1, $0xb8;
	[tilespmem:$0x17400] =	vst v63  }
0x1ab: {  	s29 =	simm.s32 $0xA800  }
0x1ac: {  	[tilespmem:s29], [sflag:$0x1] =	stream.indirect_vreg.gather [hbm4b:s3+s2], $0x80, v3, vm0, $0xb8;
	[tilespmem:$0x17400] =	vst v63  }
0x1ad: {  	s29 =	simm.s32 $0xB000  }
0x1ae: {  	[tilespmem:s29], [sflag:$0x1] =	stream.indirect_vreg.gather [hbm4b:s6+s2], $0x80, v3, vm1, $0xb8;
	[tilespmem:$0x17400] =	vst v63  }
0x1af: {  	v3 =	vld.msk [tilespmem:s17+$0xA8], $0xff;
	_ =	sdelay $0x4  }
0x1b0: {  	v63 =	vshrl.u32 v3, $0x3  }
0x1b1: {  	v4 =	vmul.u32 $0x18, v63  }
0x1b2: {  	v3 =	vand.u32 $0x7, v3  }
0x1b3: {  	v3 =	vor.u32 v3, v4  }
0x1b4: {  	v3 =	vperm.xlane v3, v0;
	_ =	sdelay $0x1  }
0x1b5: {  	v3 =	vadd.s32 v1, v3  }
0x1b6: {  	s18 =	sadd.s32 $0x2D00, s18  }
0x1b7: {  	p0 =	sne.s32 s18, $0x21C00  }
.Ltmp0:
0x1b8: {  	_ = 	snop;
	(pc) =	sbr.rel @p0 .LBB2_2-.Ltmp0, $4  }
0x1b9: {  	_ = 	snop  }
0x1ba: {  	[tilespmem:s24], [sflag:$0x1] =	stream.indirect_vreg.gather [hbm4b:s3+s2], $0x80, v3, vm0, $0xb8;
	[tilespmem:$0x17400] =	vst v63  }
0x1bb: {  	s17 =	sadd.s32 $0xF0, s17  }
0x1bc: {  	[tilespmem:s26], [sflag:$0x1] =	stream.indirect_vreg.gather [hbm4b:s6+s2], $0x80, v3, vm1, $0xb8;
	[tilespmem:$0x17400] =	vst v63  }
0x1bd: {  	_ =	swait.ge [sflag:s4], $0xB400  }
0x1be: {  	s17 =	sld [smem:$0x7FA]  }
0x1bf: {  	[sflag:s4] =	ssyncset.done $0x0  }
0x1c0: {  	s0 =	simm.s32 $0x4;
	[sflag:s4] =	ssyncadd.s32 $0xFFFF4C00  }
0x1c1: {  	[hbm4b:s17+s2] =	stream.linear.scatter [tilespmem:s10], [sflag:$0x3], $0xB400, $0x38;
	[tilespmem:$0x17400] =	vst v63  }
0x1c2: {  	_ =	swait.ge [sflag:s0], $0xB400  }
0x1c3: {  	[sflag:s0] =	ssyncset.done $0x0  }
0x1c4: {  	[sflag:s0] =	ssyncadd.s32 $0xFFFF4C00  }
0x1c5: {  	_ =	swait.ge [sflag:s16], $0xB400  }
0x1c6: {  	s25 =	sld [smem:$0x7FD]  }
0x1c7: {  	s18 =	simm.s32 $0x2000;
	s21 =	simm.s32 $0x2400;
	s26 =	sld [smem:$0x7FB]  }
0x1c8: {  	s22 =	simm.s32 $0x2C00;
	s23 =	simm.s32 $0x3000;
	s24 =	simm.s32 $0x3800  }
0x1c9: {  	s28 =	simm.s32 $0x4800;
	s29 =	simm.s32 $0x5000;
	s0 =	sadd.s32 $0x1, s25  }
0x1ca: {  	s30 =	simm.s32 $0x5400;
	s1 =	simm.s32 $0x5C00;
	p0 =	sne.s32 s0, s26  }
.Ltmp1:
0x1cb: {  	s31 =	simm.s32 $0x6000;
	s5 =	simm.s32 $0x6C00;
	(pc) =	sbr.rel @p0 .LBB2_1-.Ltmp1, $4  }
0x1cc: {  	s7 =	simm.s32 $0x7400;
	s8 =	simm.s32 $0x7800;
	s9 =	simm.s32 $0x8000  }
0x1cd: {  	s11 =	simm.s32 $0x8400;
	s12 =	simm.s32 $0x8C00;
	[sflag:s16] =	ssyncset.done $0x0  }
0x1ce: {  	s13 =	simm.s32 $0x9000;
	[sflag:s16] =	ssyncadd.s32 $0xFFFF4C00;
	s25 =	simm.s32 $0x3C00  }
0x1cf: {  	[smem:$0x7FD] =	sst s0;
	s26 =	simm.s32 $0x4400;
	s0 =	simm.s32 $0x6800  }
0x1d0: {  	_ =	sfence.sel $0x180000  }
0x1d1: {  	[bflag:$0x0] =	sbarrier.arrive $0xFFFF  }
0x1d2: {  	_ =	strace $0x9000004A  }
0x1d3: {  	s0 =	stileid.u32;
	[bflag:$0x2] =	sbarrier.arrive $0xFFFF  }
0x1d4: {  	p0 =	sne.s32 s0, $0x0;
	s0 =	rddreg [dreg:$0x1]  }
0x1d5: {  	s0 =	sadd.s32 @!p0 $0x100000, s0  }
0x1d6: {  	[sflag:s0] =	ssyncadd.tile.s32 @!p0 $0x1;
	_ =	shalt  }
.Lfunc_end2:
_tile_overlayer_lowered:
.L_overlay_start_2:
0x1d7: {  	(tag) =	ssettag $0x2  }
0x1d8: {  	s0 =	rddreg [dreg:$0x0];
	s2 =	stileid.u32  }
0x1d9: {  	s1 =	rddreg [dreg:$0x1];
	p0 =	sne.s32 s2, $0x0  }
0x1da: {  	s3 =	rddreg [dreg:$0x2];
	[bflag:$0x3] =	sbarrier.arrive $0xFFFF;
	s2 =	simm.s32 @!p0 $0x1C05  }
0x1db: {  	[timem:s3], [sflag:s2] =	dma.local @!p0 [hbm:s0], s1  }
0x1dc: {  	s0 =	simm.s32 @!p0 $0x5  }
0x1dd: {  	_ =	swait.ge @!p0 [sflag:s0], s1  }
0x1de: {  	s1 =	ssub.s32 @!p0 $0x0, s1;
	[sflag:s0] =	ssyncset.done @!p0 $0x0  }
0x1df: {  	[sflag:s0] =	ssyncadd.s32 @!p0 s1  }
0x1e0: {  	[bflag:$0x3] =	sbarrier.arrive $0xFFFF  }
0x1e1: {  	_ =	shalt  }

</sc_bundles>
